<compile_context>
chip_gen: v7x
topology: tpu7x:2x2x1
jax: 0.10.2.dev20260603
libtpu: 0.0.44.dev20260713+nightly
codegen_flags: <defaults>
</compile_context>

<pallas_src>
import functools

import jax
import jax.numpy as jnp
from jax import lax
from jax.experimental import pallas as pl
from jax.experimental.pallas import tpu as pltpu
from jax.experimental.pallas import tpu_sc as plsc

N = 10000
E = 320000
H = 128
TW = 144
PW = 16

NC = 2
NS = 16
NWK = NC * NS
EPW = E // NWK
KG = 80
NCG = EPW // KG
KS = 80
NCS = EPW // KS
NP = 10240
SLAB = NP // NS
CW = 16

BN = 2000
BE = 2000


def _prep_body(x_ref, pp_ref, w1at_ref, w1bt_ref, b1_ref, a_ref, b_ref):
    xb = x_ref[...]
    pp = pp_ref[...]
    a = jnp.dot(xb, w1at_ref[...], preferred_element_type=jnp.float32) + b1_ref[...]
    b = jnp.dot(xb, w1bt_ref[...], preferred_element_type=jnp.float32)
    a_ref[...] = jnp.concatenate([a, pp], axis=1)
    b_ref[...] = jnp.concatenate([b, pp], axis=1)


def _prep(x, pos_pad, w1at, w1bt, b1r):
    grid = (N // BN,)
    return pl.pallas_call(
        _prep_body,
        grid=grid,
        in_specs=[
            pl.BlockSpec((BN, H), lambda i: (i, 0)),
            pl.BlockSpec((BN, PW), lambda i: (i, 0)),
            pl.BlockSpec((H, H), lambda i: (0, 0)),
            pl.BlockSpec((H, H), lambda i: (0, 0)),
            pl.BlockSpec((1, H), lambda i: (0, 0)),
        ],
        out_specs=[
            pl.BlockSpec((BN, TW), lambda i: (i, 0)),
            pl.BlockSpec((BN, TW), lambda i: (i, 0)),
        ],
        out_shape=[
            jax.ShapeDtypeStruct((N, TW), jnp.float32),
            jax.ShapeDtypeStruct((N, TW), jnp.float32),
        ],
    )(x, pos_pad, w1at, w1bt, b1r)


def _gather_body(acat, bcat, col_h, row_h, hout,
                 colv, rowv, ga, gb, hp, sem_a, sem_b):
    wid = lax.axis_index("s") * NC + lax.axis_index("c")

    def chunk(ci, carry):
        base = wid * EPW + ci * KG
        pltpu.sync_copy(col_h.at[pl.ds(base, KG)], colv)
        pltpu.sync_copy(row_h.at[pl.ds(base, KG)], rowv)
        ca = pltpu.async_copy(acat.at[colv], ga, sem_a)
        cb = pltpu.async_copy(bcat.at[rowv], gb, sem_b)
        ca.wait()
        cb.wait()

        def edge(e, c2):
            for g in range(8):
                sl = pl.ds(16 * g, 16)
                hp[e, sl] = ga[e, sl] + gb[e, sl]
            rel = ga[e, pl.ds(H, 16)] - gb[e, pl.ds(H, 16)]
            d2 = rel[0] * rel[0] + rel[1] * rel[1] + rel[2] * rel[2]
            hp[e, pl.ds(H, 16)] = jnp.full((16,), d2, jnp.float32)
            return c2

        lax.fori_loop(0, KG, edge, 0)
        pltpu.sync_copy(hp, hout.at[pl.ds(base, KG)])
        return carry

    lax.fori_loop(0, NCG, chunk, 0)


def _gather(acat, bcat, col, row):
    mesh = plsc.VectorSubcoreMesh(
        core_axis_name="c", subcore_axis_name="s", num_cores=NC, num_subcores=NS)
    return pl.kernel(
        _gather_body,
        out_type=jax.ShapeDtypeStruct((E, TW), jnp.float32),
        mesh=mesh,
        compiler_params=pltpu.CompilerParams(use_tc_tiling_on_sc=False),
        scratch_types=[
            pltpu.VMEM((KG,), jnp.int32),
            pltpu.VMEM((KG,), jnp.int32),
            pltpu.VMEM((KG, TW), jnp.float32),
            pltpu.VMEM((KG, TW), jnp.float32),
            pltpu.VMEM((KG, TW), jnp.float32),
            pltpu.SemaphoreType.DMA,
            pltpu.SemaphoreType.DMA,
        ],
    )(acat, bcat, col, row)


def _edge_body(hc_ref, w1c_ref, w2t_ref, b2_ref, m_ref):
    hc = hc_ref[...]
    hpre = hc[:, :H]
    d2 = hc[:, H:H + 1]
    dist = jnp.sqrt(d2)
    h = jnp.maximum(hpre + dist * w1c_ref[...], 0.0)
    m = jnp.dot(h, w2t_ref[...], preferred_element_type=jnp.float32) + b2_ref[...]
    m_ref[...] = jnp.maximum(m, 0.0)


def _edge_mlp(hcat, w1cr, w2t, b2r):
    grid = (E // BE,)
    return pl.pallas_call(
        _edge_body,
        grid=grid,
        in_specs=[
            pl.BlockSpec((BE, TW), lambda i: (i, 0)),
            pl.BlockSpec((1, H), lambda i: (0, 0)),
            pl.BlockSpec((H, H), lambda i: (0, 0)),
            pl.BlockSpec((1, H), lambda i: (0, 0)),
        ],
        out_specs=pl.BlockSpec((BE, H), lambda i: (i, 0)),
        out_shape=jax.ShapeDtypeStruct((E, H), jnp.float32),
    )(hcat, w1cr, w2t, b2r)


def _scatter_body(m_h, row_h, zer_h, zer8_h, one8_h,
                  s0, s1, c0, c1,
                  idxv, mv, onesv, ssum, scnt):
    cid = lax.axis_index("c")
    sid = lax.axis_index("s")
    wid = sid * NC + cid

    slab = pl.ds(sid * SLAB, SLAB)
    pltpu.sync_copy(zer_h, ssum.at[slab])
    pltpu.sync_copy(zer8_h, scnt.at[slab])
    pltpu.sync_copy(one8_h, onesv)
    plsc.subcore_barrier()

    def chunk(ci, carry):
        base = wid * EPW + ci * KS
        pltpu.sync_copy(row_h.at[pl.ds(base, KS)], idxv)
        pltpu.sync_copy(m_h.at[pl.ds(base, KS)], mv)
        pltpu.sync_copy(mv, ssum.at[idxv], add=True)
        pltpu.sync_copy(onesv, scnt.at[idxv], add=True)
        return carry

    lax.fori_loop(0, NCS, chunk, 0)
    plsc.subcore_barrier()

    @pl.when(cid == 0)
    def _():
        pltpu.sync_copy(ssum.at[slab], s0.at[slab])
        pltpu.sync_copy(scnt.at[slab], c0.at[slab])

    @pl.when(cid == 1)
    def _():
        pltpu.sync_copy(ssum.at[slab], s1.at[slab])
        pltpu.sync_copy(scnt.at[slab], c1.at[slab])


def _scatter(m, row, zer, zer8, one8):
    mesh = plsc.VectorSubcoreMesh(
        core_axis_name="c", subcore_axis_name="s", num_cores=NC, num_subcores=NS)
    return pl.kernel(
        _scatter_body,
        out_type=[
            jax.ShapeDtypeStruct((NP, H), jnp.float32),
            jax.ShapeDtypeStruct((NP, H), jnp.float32),
            jax.ShapeDtypeStruct((NP, CW), jnp.float32),
            jax.ShapeDtypeStruct((NP, CW), jnp.float32),
        ],
        mesh=mesh,
        compiler_params=pltpu.CompilerParams(use_tc_tiling_on_sc=False),
        scratch_types=[
            pltpu.VMEM((KS,), jnp.int32),
            pltpu.VMEM((KS, H), jnp.float32),
            pltpu.VMEM((KS, CW), jnp.float32),
            pltpu.VMEM_SHARED((NP, H), jnp.float32),
            pltpu.VMEM_SHARED((NP, CW), jnp.float32),
        ],
    )(m, row, zer, zer8, one8)


def _final_body(x_ref, s0_ref, s1_ref, c0_ref, c1_ref, w3t_ref, b3_ref, o_ref):
    cnt = c0_ref[...][:, :1] + c1_ref[...][:, :1]
    m_i = (s0_ref[...] + s1_ref[...]) / jnp.clip(cnt, 1.0, None)
    cat = jnp.concatenate([x_ref[...], m_i], axis=1)
    o = jnp.dot(cat, w3t_ref[...], preferred_element_type=jnp.float32) + b3_ref[...]
    o_ref[...] = jnp.maximum(o, 0.0)


def _final(x, s0, s1, c0, c1, w3t, b3r):
    grid = (N // BN,)
    return pl.pallas_call(
        _final_body,
        grid=grid,
        in_specs=[
            pl.BlockSpec((BN, H), lambda i: (i, 0)),
            pl.BlockSpec((BN, H), lambda i: (i, 0)),
            pl.BlockSpec((BN, H), lambda i: (i, 0)),
            pl.BlockSpec((BN, CW), lambda i: (i, 0)),
            pl.BlockSpec((BN, CW), lambda i: (i, 0)),
            pl.BlockSpec((2 * H, H), lambda i: (0, 0)),
            pl.BlockSpec((1, H), lambda i: (0, 0)),
        ],
        out_specs=pl.BlockSpec((BN, H), lambda i: (i, 0)),
        out_shape=jax.ShapeDtypeStruct((N, H), jnp.float32),
    )(x, s0, s1, c0, c1, w3t, b3r)


@jax.jit
def kernel(x, pos, edge_index, W1, b1, W2, b2, W3, b3):
    ei = edge_index.astype(jnp.int32)
    row = ei[0]
    col = ei[1]

    w1at = W1[:, :H].T
    w1bt = W1[:, H:2 * H].T
    w1cr = W1[:, 2 * H].reshape(1, H)
    b1r = b1.reshape(1, H)
    w2t = W2.T
    b2r = b2.reshape(1, H)
    w3t = W3.T
    b3r = b3.reshape(1, H)

    pos_pad = jnp.concatenate(
        [pos, jnp.zeros((N, PW - 3), jnp.float32)], axis=1)

    zer = jnp.zeros((SLAB, H), jnp.float32)
    zer8 = jnp.zeros((SLAB, CW), jnp.float32)
    one8 = jnp.concatenate(
        [jnp.ones((KS, 1), jnp.float32), jnp.zeros((KS, CW - 1), jnp.float32)], axis=1)

    acat, bcat = _prep(x, pos_pad, w1at, w1bt, b1r)
    hcat = _gather(acat, bcat, col, row)
    m = _edge_mlp(hcat, w1cr, w2t, b2r)
    s0, s1, c0, c1 = _scatter(m, row, zer, zer8, one8)
    return _final(x, s0, s1, c0, c1, w3t, b3r)

# --- scband reference (transcript-rebuilt; emitter-appended) ---
"""Pipeline reference for scband-simple-mpblock-89833535963853 (READ-ONLY COPY).

The authoritative reference and input builder live on the scoring server;
editing this copy changes nothing except your own understanding.
"""

import jax, jax.numpy as jnp
import numpy as np

N = 10000
E = 320000
HIDDEN = 128

def setup_inputs(seed: int = 0) -> dict:
    key = jax.random.key(seed)
    ks = jax.random.split(key, 10)
    x = jax.random.normal(ks[0], (N, HIDDEN), dtype=jnp.float32)
    pos = jax.random.normal(ks[1], (N, 3), dtype=jnp.float32)
    edge_index = jax.random.randint(ks[2], (2, E), 0, N, dtype=jnp.int64)
    # msg_mlp: Linear(2*hidden+1 -> hidden), Linear(hidden -> hidden)
    s1 = 1.0 / np.sqrt(2 * HIDDEN + 1)
    W1 = jax.random.uniform(ks[3], (HIDDEN, 2 * HIDDEN + 1), minval=-s1, maxval=s1, dtype=jnp.float32)
    b1 = jax.random.uniform(ks[4], (HIDDEN,), minval=-s1, maxval=s1, dtype=jnp.float32)
    s2 = 1.0 / np.sqrt(HIDDEN)
    W2 = jax.random.uniform(ks[5], (HIDDEN, HIDDEN), minval=-s2, maxval=s2, dtype=jnp.float32)
    b2 = jax.random.uniform(ks[6], (HIDDEN,), minval=-s2, maxval=s2, dtype=jnp.float32)
    # update: Linear(2*hidden -> hidden)
    s3 = 1.0 / np.sqrt(2 * HIDDEN)
    W3 = jax.random.uniform(ks[7], (HIDDEN, 2 * HIDDEN), minval=-s3, maxval=s3, dtype=jnp.float32)
    b3 = jax.random.uniform(ks[8], (HIDDEN,), minval=-s3, maxval=s3, dtype=jnp.float32)
    return {"x": x, "pos": pos, "edge_index": edge_index,
            "W1": W1, "b1": b1, "W2": W2, "b2": b2, "W3": W3, "b3": b3}

def reference(x, pos, edge_index, W1, b1, W2, b2, W3, b3):
    row = edge_index[0]
    col = edge_index[1]
    rel = pos[col] - pos[row]
    dist = jnp.linalg.norm(rel, axis=-1, keepdims=True)
    m_in = jnp.concatenate([x[col], x[row], dist], axis=-1)
    h = jax.nn.relu(m_in @ W1.T + b1)
    m_ij = jax.nn.relu(h @ W2.T + b2)  # dropout is identity at eval
    sums = jax.ops.segment_sum(m_ij, row, num_segments=N)
    counts = jax.ops.segment_sum(jnp.ones((E, 1), dtype=m_ij.dtype), row, num_segments=N)
    m_i = sums / jnp.clip(counts, 1.0, None)
    x_out = jax.nn.relu(jnp.concatenate([x, m_i], axis=-1) @ W3.T + b3)
    return x_out

if __name__ == "__main__":
    import jax
    _d = setup_inputs()
    print(jax.jit(kernel)(*tuple(_d.values())))

</pallas_src>

<mosaic_0001>
#map = affine_map<(d0, d1) -> (0, 0)>
#map1 = affine_map<(d0, d1) -> (0)>
module attributes {stable_mosaic.version = 14 : i64} {
  func.func @_scatter_body(%arg0: i32, %arg1: i32, %arg2: memref<320000x128xf32, #tpu.memory_space<hbm>>, %arg3: memref<320000xi32, #tpu.memory_space<hbm>>, %arg4: memref<640x128xf32, #tpu.memory_space<hbm>>, %arg5: memref<640x16xf32, #tpu.memory_space<hbm>>, %arg6: memref<80x16xf32, #tpu.memory_space<hbm>>, %arg7: memref<10240x128xf32, #tpu.memory_space<hbm>>, %arg8: memref<10240x128xf32, #tpu.memory_space<hbm>>, %arg9: memref<10240x16xf32, #tpu.memory_space<hbm>>, %arg10: memref<10240x16xf32, #tpu.memory_space<hbm>>, %arg11: memref<80xi32, #tpu.memory_space<vmem>>, %arg12: memref<80x128xf32, #tpu.memory_space<vmem>>, %arg13: memref<80x16xf32, #tpu.memory_space<vmem>>, %arg14: memref<10240x128xf32, #tpu.memory_space<vmem_shared>>, %arg15: memref<10240x16xf32, #tpu.memory_space<vmem_shared>>) attributes {dimension_semantics = [#tpu.dimension_semantics<core_parallel>, #tpu.dimension_semantics<subcore_parallel>], iteration_bounds = array<i64: 2, 16>, scalar_prefetch = 0 : i64, scratch_operands = 5 : i64, tpu.core_type = #tpu.core_type<sc_vector_subcore>, window_params = [{transform_indices = #map}, {transform_indices = #map1}, {transform_indices = #map}, {transform_indices = #map}, {transform_indices = #map}, {transform_indices = #map}, {transform_indices = #map}, {transform_indices = #map}, {transform_indices = #map}]} {
    %mul3A = arith.constant 2 : i32
    %mul3A_0 = arith.muli %arg1, %mul3A : i32
    %add3A = arith.addi %mul3A_0, %arg0 : i32
    %mul3A_1 = arith.constant 640 : i32
    %mul3A_2 = arith.muli %arg1, %mul3A_1 : i32
    "tpu.region"() ({
      %run_scoped3A = tpu.sem_alloc : memref<!tpu.dma_semaphore, #tpu.memory_space<semaphore_mem>>
      %dma_start3A = arith.constant 0 : i32
      %dma_start3A_16 = tpu.memref_slice %arg14[%mul3A_2, %dma_start3A] : memref<10240x128xf32, #tpu.memory_space<vmem_shared>> -> memref<640x128xf32, #tpu.memory_space<vmem_shared>>
      tpu.enqueue_dma source(%arg4 : memref<640x128xf32, #tpu.memory_space<hbm>>) target(%dma_start3A_16 : memref<640x128xf32, #tpu.memory_space<vmem_shared>>) target_semaphore(%run_scoped3A : memref<!tpu.dma_semaphore, #tpu.memory_space<semaphore_mem>>)
      %dma_wait3A = arith.constant 0 : i32
      %dma_wait3A_17 = tpu.memref_slice %arg14[%mul3A_2, %dma_wait3A] : memref<10240x128xf32, #tpu.memory_space<vmem_shared>> -> memref<640x128xf32, #tpu.memory_space<vmem_shared>>
      tpu.wait_dma2 semaphore(%run_scoped3A : memref<!tpu.dma_semaphore, #tpu.memory_space<semaphore_mem>>) src(%arg4 : memref<640x128xf32, #tpu.memory_space<hbm>>) dst(%dma_wait3A_17 : memref<640x128xf32, #tpu.memory_space<vmem_shared>>)
      tpu.yield
    }) : () -> ()
    "tpu.region"() ({
      %run_scoped3A = tpu.sem_alloc : memref<!tpu.dma_semaphore, #tpu.memory_space<semaphore_mem>>
      %dma_start3A = arith.constant 0 : i32
      %dma_start3A_16 = tpu.memref_slice %arg15[%mul3A_2, %dma_start3A] : memref<10240x16xf32, #tpu.memory_space<vmem_shared>> -> memref<640x16xf32, #tpu.memory_space<vmem_shared>>
      tpu.enqueue_dma source(%arg5 : memref<640x16xf32, #tpu.memory_space<hbm>>) target(%dma_start3A_16 : memref<640x16xf32, #tpu.memory_space<vmem_shared>>) target_semaphore(%run_scoped3A : memref<!tpu.dma_semaphore, #tpu.memory_space<semaphore_mem>>)
      %dma_wait3A = arith.constant 0 : i32
      %dma_wait3A_17 = tpu.memref_slice %arg15[%mul3A_2, %dma_wait3A] : memref<10240x16xf32, #tpu.memory_space<vmem_shared>> -> memref<640x16xf32, #tpu.memory_space<vmem_shared>>
      tpu.wait_dma2 semaphore(%run_scoped3A : memref<!tpu.dma_semaphore, #tpu.memory_space<semaphore_mem>>) src(%arg5 : memref<640x16xf32, #tpu.memory_space<hbm>>) dst(%dma_wait3A_17 : memref<640x16xf32, #tpu.memory_space<vmem_shared>>)
      tpu.yield
    }) : () -> ()
    "tpu.region"() ({
      %run_scoped3A = tpu.sem_alloc : memref<!tpu.dma_semaphore, #tpu.memory_space<semaphore_mem>>
      tpu.enqueue_dma source(%arg6 : memref<80x16xf32, #tpu.memory_space<hbm>>) target(%arg13 : memref<80x16xf32, #tpu.memory_space<vmem>>) target_semaphore(%run_scoped3A : memref<!tpu.dma_semaphore, #tpu.memory_space<semaphore_mem>>)
      tpu.wait_dma2 semaphore(%run_scoped3A : memref<!tpu.dma_semaphore, #tpu.memory_space<semaphore_mem>>) src(%arg6 : memref<80x16xf32, #tpu.memory_space<hbm>>) dst(%arg13 : memref<80x16xf32, #tpu.memory_space<vmem>>)
      tpu.yield
    }) : () -> ()
    %barrier3A = arith.constant 0 : index
    tpu.barrier barrier_id(%barrier3A)
    %scan3A = arith.constant 0 : i32
    %scan3A_3 = arith.constant 0 : i32
    %scan3A_4 = arith.constant 125 : i32
    %scan3A_5 = arith.addi %scan3A_3, %scan3A_4 : i32
    %scan3A_6 = arith.constant 1 : i32
    scf.for %scan3A_16 = %scan3A_3 to %scan3A_5 step %scan3A_6  : i32 {
      %mul3A_17 = arith.constant 10000 : i32
      %mul3A_18 = arith.muli %add3A, %mul3A_17 : i32
      %mul3A_19 = arith.constant 80 : i32
      %mul3A_20 = arith.muli %scan3A_16, %mul3A_19 : i32
      %add3A_21 = arith.addi %mul3A_18, %mul3A_20 : i32
      "tpu.region"() ({
        %run_scoped3A = tpu.sem_alloc : memref<!tpu.dma_semaphore, #tpu.memory_space<semaphore_mem>>
        %dma_start3A = tpu.memref_slice %arg3[%add3A_21] : memref<320000xi32, #tpu.memory_space<hbm>> -> memref<80xi32, #tpu.memory_space<hbm>>
        %dma_start3A_22 = tpu.memref_slice %arg3[%add3A_21] : memref<320000xi32, #tpu.memory_space<hbm>> -> memref<80xi32, #tpu.memory_space<hbm>>
        tpu.enqueue_dma source(%dma_start3A_22 : memref<80xi32, #tpu.memory_space<hbm>>) target(%arg11 : memref<80xi32, #tpu.memory_space<vmem>>) target_semaphore(%run_scoped3A : memref<!tpu.dma_semaphore, #tpu.memory_space<semaphore_mem>>)
        %dma_wait3A = tpu.memref_slice %arg3[%add3A_21] : memref<320000xi32, #tpu.memory_space<hbm>> -> memref<80xi32, #tpu.memory_space<hbm>>
        %dma_wait3A_23 = tpu.memref_slice %arg3[%add3A_21] : memref<320000xi32, #tpu.memory_space<hbm>> -> memref<80xi32, #tpu.memory_space<hbm>>
        tpu.wait_dma2 semaphore(%run_scoped3A : memref<!tpu.dma_semaphore, #tpu.memory_space<semaphore_mem>>) src(%dma_wait3A_23 : memref<80xi32, #tpu.memory_space<hbm>>) dst(%arg11 : memref<80xi32, #tpu.memory_space<vmem>>)
        tpu.yield
      }) : () -> ()
      "tpu.region"() ({
        %run_scoped3A = tpu.sem_alloc : memref<!tpu.dma_semaphore, #tpu.memory_space<semaphore_mem>>
        %dma_start3A = arith.constant 0 : i32
        %dma_start3A_22 = tpu.memref_slice %arg2[%add3A_21, %dma_start3A] : memref<320000x128xf32, #tpu.memory_space<hbm>> -> memref<80x128xf32, #tpu.memory_space<hbm>>
        %dma_start3A_23 = arith.constant 0 : i32
        %dma_start3A_24 = tpu.memref_slice %arg2[%add3A_21, %dma_start3A_23] : memref<320000x128xf32, #tpu.memory_space<hbm>> -> memref<80x128xf32, #tpu.memory_space<hbm>>
        tpu.enqueue_dma source(%dma_start3A_24 : memref<80x128xf32, #tpu.memory_space<hbm>>) target(%arg12 : memref<80x128xf32, #tpu.memory_space<vmem>>) target_semaphore(%run_scoped3A : memref<!tpu.dma_semaphore, #tpu.memory_space<semaphore_mem>>)
        %dma_wait3A = arith.constant 0 : i32
        %dma_wait3A_25 = tpu.memref_slice %arg2[%add3A_21, %dma_wait3A] : memref<320000x128xf32, #tpu.memory_space<hbm>> -> memref<80x128xf32, #tpu.memory_space<hbm>>
        %dma_wait3A_26 = arith.constant 0 : i32
        %dma_wait3A_27 = tpu.memref_slice %arg2[%add3A_21, %dma_wait3A_26] : memref<320000x128xf32, #tpu.memory_space<hbm>> -> memref<80x128xf32, #tpu.memory_space<hbm>>
        tpu.wait_dma2 semaphore(%run_scoped3A : memref<!tpu.dma_semaphore, #tpu.memory_space<semaphore_mem>>) src(%dma_wait3A_27 : memref<80x128xf32, #tpu.memory_space<hbm>>) dst(%arg12 : memref<80x128xf32, #tpu.memory_space<vmem>>)
        tpu.yield
      }) : () -> ()
      "tpu.region"() ({
        %run_scoped3A = tpu.sem_alloc : memref<!tpu.dma_semaphore, #tpu.memory_space<semaphore_mem>>
        %dma_start3A = arith.constant 0 : i32
        %dma_start3A_22 = arith.constant 0 : i32
        %dma_start3A_23 = tpu.memref_slice %arg14[%dma_start3A, %dma_start3A_22] : memref<10240x128xf32, #tpu.memory_space<vmem_shared>> -> memref<10240x128xf32, #tpu.memory_space<vmem_shared>>
        tpu.enqueue_indirect_dma source(%arg12 : memref<80x128xf32, #tpu.memory_space<vmem>>) target(%dma_start3A_23 : memref<10240x128xf32, #tpu.memory_space<vmem_shared>>) offsets(%arg11 : memref<80xi32, #tpu.memory_space<vmem>>) semaphore(%run_scoped3A : memref<!tpu.dma_semaphore, #tpu.memory_space<semaphore_mem>>) {add = true}
        %dma_wait3A = arith.constant 0 : i32
        %dma_wait3A_24 = arith.constant 0 : i32
        %dma_wait3A_25 = tpu.memref_slice %arg14[%dma_wait3A, %dma_wait3A_24] : memref<10240x128xf32, #tpu.memory_space<vmem_shared>> -> memref<10240x128xf32, #tpu.memory_space<vmem_shared>>
        tpu.wait_indirect_dma semaphore(%run_scoped3A : memref<!tpu.dma_semaphore, #tpu.memory_space<semaphore_mem>>) src(%arg12 : memref<80x128xf32, #tpu.memory_space<vmem>>) dst(%dma_wait3A_25 : memref<10240x128xf32, #tpu.memory_space<vmem_shared>>)
        tpu.yield
      }) : () -> ()
      "tpu.region"() ({
        %run_scoped3A = tpu.sem_alloc : memref<!tpu.dma_semaphore, #tpu.memory_space<semaphore_mem>>
        %dma_start3A = arith.constant 0 : i32
        %dma_start3A_22 = arith.constant 0 : i32
        %dma_start3A_23 = tpu.memref_slice %arg15[%dma_start3A, %dma_start3A_22] : memref<10240x16xf32, #tpu.memory_space<vmem_shared>> -> memref<10240x16xf32, #tpu.memory_space<vmem_shared>>
        tpu.enqueue_indirect_dma source(%arg13 : memref<80x16xf32, #tpu.memory_space<vmem>>) target(%dma_start3A_23 : memref<10240x16xf32, #tpu.memory_space<vmem_shared>>) offsets(%arg11 : memref<80xi32, #tpu.memory_space<vmem>>) semaphore(%run_scoped3A : memref<!tpu.dma_semaphore, #tpu.memory_space<semaphore_mem>>) {add = true}
        %dma_wait3A = arith.constant 0 : i32
        %dma_wait3A_24 = arith.constant 0 : i32
        %dma_wait3A_25 = tpu.memref_slice %arg15[%dma_wait3A, %dma_wait3A_24] : memref<10240x16xf32, #tpu.memory_space<vmem_shared>> -> memref<10240x16xf32, #tpu.memory_space<vmem_shared>>
        tpu.wait_indirect_dma semaphore(%run_scoped3A : memref<!tpu.dma_semaphore, #tpu.memory_space<semaphore_mem>>) src(%arg13 : memref<80x16xf32, #tpu.memory_space<vmem>>) dst(%dma_wait3A_25 : memref<10240x16xf32, #tpu.memory_space<vmem_shared>>)
        tpu.yield
      }) : () -> ()
    }
    %scan3A_7 = arith.constant 125 : i32
    %barrier3A_8 = arith.constant 0 : index
    tpu.barrier barrier_id(%barrier3A_8)
    %eq3A = arith.constant 0 : i32
    %eq3A_9 = arith.cmpi eq, %arg0, %eq3A : i32
    %convert_element_type3A = arith.extui %eq3A_9 : i1 to i32
    %cond3A = arith.constant 0 : i32
    %cond3A_10 = arith.cmpi ne, %convert_element_type3A, %cond3A : i32
    scf.if %cond3A_10 {
      "tpu.region"() ({
        %run_scoped3A = tpu.sem_alloc : memref<!tpu.dma_semaphore, #tpu.memory_space<semaphore_mem>>
        %dma_start3A = arith.constant 0 : i32
        %dma_start3A_16 = tpu.memref_slice %arg7[%mul3A_2, %dma_start3A] : memref<10240x128xf32, #tpu.memory_space<hbm>> -> memref<640x128xf32, #tpu.memory_space<hbm>>
        %dma_start3A_17 = arith.constant 0 : i32
        %dma_start3A_18 = tpu.memref_slice %arg14[%mul3A_2, %dma_start3A_17] : memref<10240x128xf32, #tpu.memory_space<vmem_shared>> -> memref<640x128xf32, #tpu.memory_space<vmem_shared>>
        tpu.enqueue_dma source(%dma_start3A_18 : memref<640x128xf32, #tpu.memory_space<vmem_shared>>) target(%dma_start3A_16 : memref<640x128xf32, #tpu.memory_space<hbm>>) target_semaphore(%run_scoped3A : memref<!tpu.dma_semaphore, #tpu.memory_space<semaphore_mem>>)
        %dma_wait3A = arith.constant 0 : i32
        %dma_wait3A_19 = tpu.memref_slice %arg7[%mul3A_2, %dma_wait3A] : memref<10240x128xf32, #tpu.memory_space<hbm>> -> memref<640x128xf32, #tpu.memory_space<hbm>>
        %dma_wait3A_20 = arith.constant 0 : i32
        %dma_wait3A_21 = tpu.memref_slice %arg14[%mul3A_2, %dma_wait3A_20] : memref<10240x128xf32, #tpu.memory_space<vmem_shared>> -> memref<640x128xf32, #tpu.memory_space<vmem_shared>>
        tpu.wait_dma2 semaphore(%run_scoped3A : memref<!tpu.dma_semaphore, #tpu.memory_space<semaphore_mem>>) src(%dma_wait3A_21 : memref<640x128xf32, #tpu.memory_space<vmem_shared>>) dst(%dma_wait3A_19 : memref<640x128xf32, #tpu.memory_space<hbm>>)
        tpu.yield
      }) : () -> ()
      "tpu.region"() ({
        %run_scoped3A = tpu.sem_alloc : memref<!tpu.dma_semaphore, #tpu.memory_space<semaphore_mem>>
        %dma_start3A = arith.constant 0 : i32
        %dma_start3A_16 = tpu.memref_slice %arg9[%mul3A_2, %dma_start3A] : memref<10240x16xf32, #tpu.memory_space<hbm>> -> memref<640x16xf32, #tpu.memory_space<hbm>>
        %dma_start3A_17 = arith.constant 0 : i32
        %dma_start3A_18 = tpu.memref_slice %arg15[%mul3A_2, %dma_start3A_17] : memref<10240x16xf32, #tpu.memory_space<vmem_shared>> -> memref<640x16xf32, #tpu.memory_space<vmem_shared>>
        tpu.enqueue_dma source(%dma_start3A_18 : memref<640x16xf32, #tpu.memory_space<vmem_shared>>) target(%dma_start3A_16 : memref<640x16xf32, #tpu.memory_space<hbm>>) target_semaphore(%run_scoped3A : memref<!tpu.dma_semaphore, #tpu.memory_space<semaphore_mem>>)
        %dma_wait3A = arith.constant 0 : i32
        %dma_wait3A_19 = tpu.memref_slice %arg9[%mul3A_2, %dma_wait3A] : memref<10240x16xf32, #tpu.memory_space<hbm>> -> memref<640x16xf32, #tpu.memory_space<hbm>>
        %dma_wait3A_20 = arith.constant 0 : i32
        %dma_wait3A_21 = tpu.memref_slice %arg15[%mul3A_2, %dma_wait3A_20] : memref<10240x16xf32, #tpu.memory_space<vmem_shared>> -> memref<640x16xf32, #tpu.memory_space<vmem_shared>>
        tpu.wait_dma2 semaphore(%run_scoped3A : memref<!tpu.dma_semaphore, #tpu.memory_space<semaphore_mem>>) src(%dma_wait3A_21 : memref<640x16xf32, #tpu.memory_space<vmem_shared>>) dst(%dma_wait3A_19 : memref<640x16xf32, #tpu.memory_space<hbm>>)
        tpu.yield
      }) : () -> ()
    } else {
    }
    %eq3A_11 = arith.constant 1 : i32
    %eq3A_12 = arith.cmpi eq, %arg0, %eq3A_11 : i32
    %convert_element_type3A_13 = arith.extui %eq3A_12 : i1 to i32
    %cond3A_14 = arith.constant 0 : i32
    %cond3A_15 = arith.cmpi ne, %convert_element_type3A_13, %cond3A_14 : i32
    scf.if %cond3A_15 {
      "tpu.region"() ({
        %run_scoped3A = tpu.sem_alloc : memref<!tpu.dma_semaphore, #tpu.memory_space<semaphore_mem>>
        %dma_start3A = arith.constant 0 : i32
        %dma_start3A_16 = tpu.memref_slice %arg8[%mul3A_2, %dma_start3A] : memref<10240x128xf32, #tpu.memory_space<hbm>> -> memref<640x128xf32, #tpu.memory_space<hbm>>
        %dma_start3A_17 = arith.constant 0 : i32
        %dma_start3A_18 = tpu.memref_slice %arg14[%mul3A_2, %dma_start3A_17] : memref<10240x128xf32, #tpu.memory_space<vmem_shared>> -> memref<640x128xf32, #tpu.memory_space<vmem_shared>>
        tpu.enqueue_dma source(%dma_start3A_18 : memref<640x128xf32, #tpu.memory_space<vmem_shared>>) target(%dma_start3A_16 : memref<640x128xf32, #tpu.memory_space<hbm>>) target_semaphore(%run_scoped3A : memref<!tpu.dma_semaphore, #tpu.memory_space<semaphore_mem>>)
        %dma_wait3A = arith.constant 0 : i32
        %dma_wait3A_19 = tpu.memref_slice %arg8[%mul3A_2, %dma_wait3A] : memref<10240x128xf32, #tpu.memory_space<hbm>> -> memref<640x128xf32, #tpu.memory_space<hbm>>
        %dma_wait3A_20 = arith.constant 0 : i32
        %dma_wait3A_21 = tpu.memref_slice %arg14[%mul3A_2, %dma_wait3A_20] : memref<10240x128xf32, #tpu.memory_space<vmem_shared>> -> memref<640x128xf32, #tpu.memory_space<vmem_shared>>
        tpu.wait_dma2 semaphore(%run_scoped3A : memref<!tpu.dma_semaphore, #tpu.memory_space<semaphore_mem>>) src(%dma_wait3A_21 : memref<640x128xf32, #tpu.memory_space<vmem_shared>>) dst(%dma_wait3A_19 : memref<640x128xf32, #tpu.memory_space<hbm>>)
        tpu.yield
      }) : () -> ()
      "tpu.region"() ({
        %run_scoped3A = tpu.sem_alloc : memref<!tpu.dma_semaphore, #tpu.memory_space<semaphore_mem>>
        %dma_start3A = arith.constant 0 : i32
        %dma_start3A_16 = tpu.memref_slice %arg10[%mul3A_2, %dma_start3A] : memref<10240x16xf32, #tpu.memory_space<hbm>> -> memref<640x16xf32, #tpu.memory_space<hbm>>
        %dma_start3A_17 = arith.constant 0 : i32
        %dma_start3A_18 = tpu.memref_slice %arg15[%mul3A_2, %dma_start3A_17] : memref<10240x16xf32, #tpu.memory_space<vmem_shared>> -> memref<640x16xf32, #tpu.memory_space<vmem_shared>>
        tpu.enqueue_dma source(%dma_start3A_18 : memref<640x16xf32, #tpu.memory_space<vmem_shared>>) target(%dma_start3A_16 : memref<640x16xf32, #tpu.memory_space<hbm>>) target_semaphore(%run_scoped3A : memref<!tpu.dma_semaphore, #tpu.memory_space<semaphore_mem>>)
        %dma_wait3A = arith.constant 0 : i32
        %dma_wait3A_19 = tpu.memref_slice %arg10[%mul3A_2, %dma_wait3A] : memref<10240x16xf32, #tpu.memory_space<hbm>> -> memref<640x16xf32, #tpu.memory_space<hbm>>
        %dma_wait3A_20 = arith.constant 0 : i32
        %dma_wait3A_21 = tpu.memref_slice %arg15[%mul3A_2, %dma_wait3A_20] : memref<10240x16xf32, #tpu.memory_space<vmem_shared>> -> memref<640x16xf32, #tpu.memory_space<vmem_shared>>
        tpu.wait_dma2 semaphore(%run_scoped3A : memref<!tpu.dma_semaphore, #tpu.memory_space<semaphore_mem>>) src(%dma_wait3A_21 : memref<640x16xf32, #tpu.memory_space<vmem_shared>>) dst(%dma_wait3A_19 : memref<640x16xf32, #tpu.memory_space<hbm>>)
        tpu.yield
      }) : () -> ()
    } else {
    }
    return
  }
}

#map = affine_map<(d0, d1) -> (0, 0)>
#map1 = affine_map<(d0, d1) -> (0)>
module attributes {stable_mosaic.version = 14 : i64} {
  func.func @_gather_body(%arg0: i32, %arg1: i32, %arg2: memref<10000x144xf32, #tpu.memory_space<hbm>>, %arg3: memref<10000x144xf32, #tpu.memory_space<hbm>>, %arg4: memref<320000xi32, #tpu.memory_space<hbm>>, %arg5: memref<320000xi32, #tpu.memory_space<hbm>>, %arg6: memref<320000x144xf32, #tpu.memory_space<hbm>>, %arg7: memref<80xi32, #tpu.memory_space<vmem>>, %arg8: memref<80xi32, #tpu.memory_space<vmem>>, %arg9: memref<80x144xf32, #tpu.memory_space<vmem>>, %arg10: memref<80x144xf32, #tpu.memory_space<vmem>>, %arg11: memref<80x144xf32, #tpu.memory_space<vmem>>, %arg12: memref<!tpu.dma_semaphore, #tpu.memory_space<semaphore_mem>>, %arg13: memref<!tpu.dma_semaphore, #tpu.memory_space<semaphore_mem>>) attributes {dimension_semantics = [#tpu.dimension_semantics<core_parallel>, #tpu.dimension_semantics<subcore_parallel>], iteration_bounds = array<i64: 2, 16>, scalar_prefetch = 0 : i64, scratch_operands = 7 : i64, tpu.core_type = #tpu.core_type<sc_vector_subcore>, window_params = [{transform_indices = #map}, {transform_indices = #map}, {transform_indices = #map1}, {transform_indices = #map1}, {transform_indices = #map}]} {
    %mul3A = arith.constant 2 : i32
    %mul3A_0 = arith.muli %arg1, %mul3A : i32
    %add3A = arith.addi %mul3A_0, %arg0 : i32
    %scan3A = arith.constant 0 : i32
    %scan3A_1 = arith.constant 0 : i32
    %scan3A_2 = arith.constant 125 : i32
    %scan3A_3 = arith.addi %scan3A_1, %scan3A_2 : i32
    %scan3A_4 = arith.constant 1 : i32
    scf.for %scan3A_6 = %scan3A_1 to %scan3A_3 step %scan3A_4  : i32 {
      %mul3A_7 = arith.constant 10000 : i32
      %mul3A_8 = arith.muli %add3A, %mul3A_7 : i32
      %mul3A_9 = arith.constant 80 : i32
      %mul3A_10 = arith.muli %scan3A_6, %mul3A_9 : i32
      %add3A_11 = arith.addi %mul3A_8, %mul3A_10 : i32
      "tpu.region"() ({
        %run_scoped3A = tpu.sem_alloc : memref<!tpu.dma_semaphore, #tpu.memory_space<semaphore_mem>>
        %dma_start3A_28 = tpu.memref_slice %arg4[%add3A_11] : memref<320000xi32, #tpu.memory_space<hbm>> -> memref<80xi32, #tpu.memory_space<hbm>>
        %dma_start3A_29 = tpu.memref_slice %arg4[%add3A_11] : memref<320000xi32, #tpu.memory_space<hbm>> -> memref<80xi32, #tpu.memory_space<hbm>>
        tpu.enqueue_dma source(%dma_start3A_29 : memref<80xi32, #tpu.memory_space<hbm>>) target(%arg7 : memref<80xi32, #tpu.memory_space<vmem>>) target_semaphore(%run_scoped3A : memref<!tpu.dma_semaphore, #tpu.memory_space<semaphore_mem>>)
        %dma_wait3A_30 = tpu.memref_slice %arg4[%add3A_11] : memref<320000xi32, #tpu.memory_space<hbm>> -> memref<80xi32, #tpu.memory_space<hbm>>
        %dma_wait3A_31 = tpu.memref_slice %arg4[%add3A_11] : memref<320000xi32, #tpu.memory_space<hbm>> -> memref<80xi32, #tpu.memory_space<hbm>>
        tpu.wait_dma2 semaphore(%run_scoped3A : memref<!tpu.dma_semaphore, #tpu.memory_space<semaphore_mem>>) src(%dma_wait3A_31 : memref<80xi32, #tpu.memory_space<hbm>>) dst(%arg7 : memref<80xi32, #tpu.memory_space<vmem>>)
        tpu.yield
      }) : () -> ()
      "tpu.region"() ({
        %run_scoped3A = tpu.sem_alloc : memref<!tpu.dma_semaphore, #tpu.memory_space<semaphore_mem>>
        %dma_start3A_28 = tpu.memref_slice %arg5[%add3A_11] : memref<320000xi32, #tpu.memory_space<hbm>> -> memref<80xi32, #tpu.memory_space<hbm>>
        %dma_start3A_29 = tpu.memref_slice %arg5[%add3A_11] : memref<320000xi32, #tpu.memory_space<hbm>> -> memref<80xi32, #tpu.memory_space<hbm>>
        tpu.enqueue_dma source(%dma_start3A_29 : memref<80xi32, #tpu.memory_space<hbm>>) target(%arg8 : memref<80xi32, #tpu.memory_space<vmem>>) target_semaphore(%run_scoped3A : memref<!tpu.dma_semaphore, #tpu.memory_space<semaphore_mem>>)
        %dma_wait3A_30 = tpu.memref_slice %arg5[%add3A_11] : memref<320000xi32, #tpu.memory_space<hbm>> -> memref<80xi32, #tpu.memory_space<hbm>>
        %dma_wait3A_31 = tpu.memref_slice %arg5[%add3A_11] : memref<320000xi32, #tpu.memory_space<hbm>> -> memref<80xi32, #tpu.memory_space<hbm>>
        tpu.wait_dma2 semaphore(%run_scoped3A : memref<!tpu.dma_semaphore, #tpu.memory_space<semaphore_mem>>) src(%dma_wait3A_31 : memref<80xi32, #tpu.memory_space<hbm>>) dst(%arg8 : memref<80xi32, #tpu.memory_space<vmem>>)
        tpu.yield
      }) : () -> ()
      %dma_start3A = arith.constant 0 : i32
      %dma_start3A_12 = arith.constant 0 : i32
      %dma_start3A_13 = tpu.memref_slice %arg2[%dma_start3A, %dma_start3A_12] : memref<10000x144xf32, #tpu.memory_space<hbm>> -> memref<10000x144xf32, #tpu.memory_space<hbm>>
      tpu.enqueue_indirect_dma source(%dma_start3A_13 : memref<10000x144xf32, #tpu.memory_space<hbm>>) target(%arg9 : memref<80x144xf32, #tpu.memory_space<vmem>>) offsets(%arg7 : memref<80xi32, #tpu.memory_space<vmem>>) semaphore(%arg12 : memref<!tpu.dma_semaphore, #tpu.memory_space<semaphore_mem>>)
      %dma_start3A_14 = arith.constant 0 : i32
      %dma_start3A_15 = arith.constant 0 : i32
      %dma_start3A_16 = tpu.memref_slice %arg3[%dma_start3A_14, %dma_start3A_15] : memref<10000x144xf32, #tpu.memory_space<hbm>> -> memref<10000x144xf32, #tpu.memory_space<hbm>>
      tpu.enqueue_indirect_dma source(%dma_start3A_16 : memref<10000x144xf32, #tpu.memory_space<hbm>>) target(%arg10 : memref<80x144xf32, #tpu.memory_space<vmem>>) offsets(%arg8 : memref<80xi32, #tpu.memory_space<vmem>>) semaphore(%arg13 : memref<!tpu.dma_semaphore, #tpu.memory_space<semaphore_mem>>)
      %dma_wait3A = arith.constant 0 : i32
      %dma_wait3A_17 = arith.constant 0 : i32
      %dma_wait3A_18 = tpu.memref_slice %arg2[%dma_wait3A, %dma_wait3A_17] : memref<10000x144xf32, #tpu.memory_space<hbm>> -> memref<10000x144xf32, #tpu.memory_space<hbm>>
      tpu.wait_indirect_dma semaphore(%arg12 : memref<!tpu.dma_semaphore, #tpu.memory_space<semaphore_mem>>) src(%dma_wait3A_18 : memref<10000x144xf32, #tpu.memory_space<hbm>>) dst(%arg9 : memref<80x144xf32, #tpu.memory_space<vmem>>)
      %dma_wait3A_19 = arith.constant 0 : i32
      %dma_wait3A_20 = arith.constant 0 : i32
      %dma_wait3A_21 = tpu.memref_slice %arg3[%dma_wait3A_19, %dma_wait3A_20] : memref<10000x144xf32, #tpu.memory_space<hbm>> -> memref<10000x144xf32, #tpu.memory_space<hbm>>
      tpu.wait_indirect_dma semaphore(%arg13 : memref<!tpu.dma_semaphore, #tpu.memory_space<semaphore_mem>>) src(%dma_wait3A_21 : memref<10000x144xf32, #tpu.memory_space<hbm>>) dst(%arg10 : memref<80x144xf32, #tpu.memory_space<vmem>>)
      %scan3A_22 = arith.constant 0 : i32
      %scan3A_23 = arith.constant 0 : i32
      %scan3A_24 = arith.constant 80 : i32
      %scan3A_25 = arith.addi %scan3A_23, %scan3A_24 : i32
      %scan3A_26 = arith.constant 1 : i32
      scf.for %scan3A_28 = %scan3A_23 to %scan3A_25 step %scan3A_26  : i32 {
        %get3A = arith.index_cast %scan3A_28 : i32 to index
        %get3A_29 = arith.constant 0 : index
        %get3A_30 = tpu.vector_load %arg9[%get3A, %get3A_29] {strides = array<i32>} : memref<80x144xf32, #tpu.memory_space<vmem>>, vector<1x16xf32>,
        %get3A_31 = vector.shape_cast %get3A_30 : vector<1x16xf32> to vector<16xf32>
        %get3A_32 = arith.index_cast %scan3A_28 : i32 to index
        %get3A_33 = arith.constant 0 : index
        %get3A_34 = tpu.vector_load %arg10[%get3A_32, %get3A_33] {strides = array<i32>} : memref<80x144xf32, #tpu.memory_space<vmem>>, vector<1x16xf32>,
        %get3A_35 = vector.shape_cast %get3A_34 : vector<1x16xf32> to vector<16xf32>
        %add3A_36 = arith.addf %get3A_31, %get3A_35 : vector<16xf32>
        %swap3A = arith.index_cast %scan3A_28 : i32 to index
        %swap3A_37 = arith.constant 0 : index
        %swap3A_38 = tpu.vector_load %arg11[%swap3A, %swap3A_37] {strides = array<i32>} : memref<80x144xf32, #tpu.memory_space<vmem>>, vector<1x16xf32>,
        %swap3A_39 = vector.shape_cast %swap3A_38 : vector<1x16xf32> to vector<16xf32>
        %swap3A_40 = vector.shape_cast %add3A_36 : vector<16xf32> to vector<1x16xf32>
        tpu.vector_store %arg11[%swap3A, %swap3A_37], %swap3A_40 {strides = array<i32>} : memref<80x144xf32, #tpu.memory_space<vmem>>, vector<1x16xf32>,
        %get3A_41 = arith.index_cast %scan3A_28 : i32 to index
        %get3A_42 = arith.constant 16 : index
        %get3A_43 = tpu.vector_load %arg9[%get3A_41, %get3A_42] {strides = array<i32>} : memref<80x144xf32, #tpu.memory_space<vmem>>, vector<1x16xf32>,
        %get3A_44 = vector.shape_cast %get3A_43 : vector<1x16xf32> to vector<16xf32>
        %get3A_45 = arith.index_cast %scan3A_28 : i32 to index
        %get3A_46 = arith.constant 16 : index
        %get3A_47 = tpu.vector_load %arg10[%get3A_45, %get3A_46] {strides = array<i32>} : memref<80x144xf32, #tpu.memory_space<vmem>>, vector<1x16xf32>,
        %get3A_48 = vector.shape_cast %get3A_47 : vector<1x16xf32> to vector<16xf32>
        %add3A_49 = arith.addf %get3A_44, %get3A_48 : vector<16xf32>
        %swap3A_50 = arith.index_cast %scan3A_28 : i32 to index
        %swap3A_51 = arith.constant 16 : index
        %swap3A_52 = tpu.vector_load %arg11[%swap3A_50, %swap3A_51] {strides = array<i32>} : memref<80x144xf32, #tpu.memory_space<vmem>>, vector<1x16xf32>,
        %swap3A_53 = vector.shape_cast %swap3A_52 : vector<1x16xf32> to vector<16xf32>
        %swap3A_54 = vector.shape_cast %add3A_49 : vector<16xf32> to vector<1x16xf32>
        tpu.vector_store %arg11[%swap3A_50, %swap3A_51], %swap3A_54 {strides = array<i32>} : memref<80x144xf32, #tpu.memory_space<vmem>>, vector<1x16xf32>,
        %get3A_55 = arith.index_cast %scan3A_28 : i32 to index
        %get3A_56 = arith.constant 32 : index
        %get3A_57 = tpu.vector_load %arg9[%get3A_55, %get3A_56] {strides = array<i32>} : memref<80x144xf32, #tpu.memory_space<vmem>>, vector<1x16xf32>,
        %get3A_58 = vector.shape_cast %get3A_57 : vector<1x16xf32> to vector<16xf32>
        %get3A_59 = arith.index_cast %scan3A_28 : i32 to index
        %get3A_60 = arith.constant 32 : index
        %get3A_61 = tpu.vector_load %arg10[%get3A_59, %get3A_60] {strides = array<i32>} : memref<80x144xf32, #tpu.memory_space<vmem>>, vector<1x16xf32>,
        %get3A_62 = vector.shape_cast %get3A_61 : vector<1x16xf32> to vector<16xf32>
        %add3A_63 = arith.addf %get3A_58, %get3A_62 : vector<16xf32>
        %swap3A_64 = arith.index_cast %scan3A_28 : i32 to index
        %swap3A_65 = arith.constant 32 : index
        %swap3A_66 = tpu.vector_load %arg11[%swap3A_64, %swap3A_65] {strides = array<i32>} : memref<80x144xf32, #tpu.memory_space<vmem>>, vector<1x16xf32>,
        %swap3A_67 = vector.shape_cast %swap3A_66 : vector<1x16xf32> to vector<16xf32>
        %swap3A_68 = vector.shape_cast %add3A_63 : vector<16xf32> to vector<1x16xf32>
        tpu.vector_store %arg11[%swap3A_64, %swap3A_65], %swap3A_68 {strides = array<i32>} : memref<80x144xf32, #tpu.memory_space<vmem>>, vector<1x16xf32>,
        %get3A_69 = arith.index_cast %scan3A_28 : i32 to index
        %get3A_70 = arith.constant 48 : index
        %get3A_71 = tpu.vector_load %arg9[%get3A_69, %get3A_70] {strides = array<i32>} : memref<80x144xf32, #tpu.memory_space<vmem>>, vector<1x16xf32>,
        %get3A_72 = vector.shape_cast %get3A_71 : vector<1x16xf32> to vector<16xf32>
        %get3A_73 = arith.index_cast %scan3A_28 : i32 to index
        %get3A_74 = arith.constant 48 : index
        %get3A_75 = tpu.vector_load %arg10[%get3A_73, %get3A_74] {strides = array<i32>} : memref<80x144xf32, #tpu.memory_space<vmem>>, vector<1x16xf32>,
        %get3A_76 = vector.shape_cast %get3A_75 : vector<1x16xf32> to vector<16xf32>
        %add3A_77 = arith.addf %get3A_72, %get3A_76 : vector<16xf32>
        %swap3A_78 = arith.index_cast %scan3A_28 : i32 to index
        %swap3A_79 = arith.constant 48 : index
        %swap3A_80 = tpu.vector_load %arg11[%swap3A_78, %swap3A_79] {strides = array<i32>} : memref<80x144xf32, #tpu.memory_space<vmem>>, vector<1x16xf32>,
        %swap3A_81 = vector.shape_cast %swap3A_80 : vector<1x16xf32> to vector<16xf32>
        %swap3A_82 = vector.shape_cast %add3A_77 : vector<16xf32> to vector<1x16xf32>
        tpu.vector_store %arg11[%swap3A_78, %swap3A_79], %swap3A_82 {strides = array<i32>} : memref<80x144xf32, #tpu.memory_space<vmem>>, vector<1x16xf32>,
        %get3A_83 = arith.index_cast %scan3A_28 : i32 to index
        %get3A_84 = arith.constant 64 : index
        %get3A_85 = tpu.vector_load %arg9[%get3A_83, %get3A_84] {strides = array<i32>} : memref<80x144xf32, #tpu.memory_space<vmem>>, vector<1x16xf32>,
        %get3A_86 = vector.shape_cast %get3A_85 : vector<1x16xf32> to vector<16xf32>
        %get3A_87 = arith.index_cast %scan3A_28 : i32 to index
        %get3A_88 = arith.constant 64 : index
        %get3A_89 = tpu.vector_load %arg10[%get3A_87, %get3A_88] {strides = array<i32>} : memref<80x144xf32, #tpu.memory_space<vmem>>, vector<1x16xf32>,
        %get3A_90 = vector.shape_cast %get3A_89 : vector<1x16xf32> to vector<16xf32>
        %add3A_91 = arith.addf %get3A_86, %get3A_90 : vector<16xf32>
        %swap3A_92 = arith.index_cast %scan3A_28 : i32 to index
        %swap3A_93 = arith.constant 64 : index
        %swap3A_94 = tpu.vector_load %arg11[%swap3A_92, %swap3A_93] {strides = array<i32>} : memref<80x144xf32, #tpu.memory_space<vmem>>, vector<1x16xf32>,
        %swap3A_95 = vector.shape_cast %swap3A_94 : vector<1x16xf32> to vector<16xf32>
        %swap3A_96 = vector.shape_cast %add3A_91 : vector<16xf32> to vector<1x16xf32>
        tpu.vector_store %arg11[%swap3A_92, %swap3A_93], %swap3A_96 {strides = array<i32>} : memref<80x144xf32, #tpu.memory_space<vmem>>, vector<1x16xf32>,
        %get3A_97 = arith.index_cast %scan3A_28 : i32 to index
        %get3A_98 = arith.constant 80 : index
        %get3A_99 = tpu.vector_load %arg9[%get3A_97, %get3A_98] {strides = array<i32>} : memref<80x144xf32, #tpu.memory_space<vmem>>, vector<1x16xf32>,
        %get3A_100 = vector.shape_cast %get3A_99 : vector<1x16xf32> to vector<16xf32>
        %get3A_101 = arith.index_cast %scan3A_28 : i32 to index
        %get3A_102 = arith.constant 80 : index
        %get3A_103 = tpu.vector_load %arg10[%get3A_101, %get3A_102] {strides = array<i32>} : memref<80x144xf32, #tpu.memory_space<vmem>>, vector<1x16xf32>,
        %get3A_104 = vector.shape_cast %get3A_103 : vector<1x16xf32> to vector<16xf32>
        %add3A_105 = arith.addf %get3A_100, %get3A_104 : vector<16xf32>
        %swap3A_106 = arith.index_cast %scan3A_28 : i32 to index
        %swap3A_107 = arith.constant 80 : index
        %swap3A_108 = tpu.vector_load %arg11[%swap3A_106, %swap3A_107] {strides = array<i32>} : memref<80x144xf32, #tpu.memory_space<vmem>>, vector<1x16xf32>,
        %swap3A_109 = vector.shape_cast %swap3A_108 : vector<1x16xf32> to vector<16xf32>
        %swap3A_110 = vector.shape_cast %add3A_105 : vector<16xf32> to vector<1x16xf32>
        tpu.vector_store %arg11[%swap3A_106, %swap3A_107], %swap3A_110 {strides = array<i32>} : memref<80x144xf32, #tpu.memory_space<vmem>>, vector<1x16xf32>,
        %get3A_111 = arith.index_cast %scan3A_28 : i32 to index
        %get3A_112 = arith.constant 96 : index
        %get3A_113 = tpu.vector_load %arg9[%get3A_111, %get3A_112] {strides = array<i32>} : memref<80x144xf32, #tpu.memory_space<vmem>>, vector<1x16xf32>,
        %get3A_114 = vector.shape_cast %get3A_113 : vector<1x16xf32> to vector<16xf32>
        %get3A_115 = arith.index_cast %scan3A_28 : i32 to index
        %get3A_116 = arith.constant 96 : index
        %get3A_117 = tpu.vector_load %arg10[%get3A_115, %get3A_116] {strides = array<i32>} : memref<80x144xf32, #tpu.memory_space<vmem>>, vector<1x16xf32>,
        %get3A_118 = vector.shape_cast %get3A_117 : vector<1x16xf32> to vector<16xf32>
        %add3A_119 = arith.addf %get3A_114, %get3A_118 : vector<16xf32>
        %swap3A_120 = arith.index_cast %scan3A_28 : i32 to index
        %swap3A_121 = arith.constant 96 : index
        %swap3A_122 = tpu.vector_load %arg11[%swap3A_120, %swap3A_121] {strides = array<i32>} : memref<80x144xf32, #tpu.memory_space<vmem>>, vector<1x16xf32>,
        %swap3A_123 = vector.shape_cast %swap3A_122 : vector<1x16xf32> to vector<16xf32>
        %swap3A_124 = vector.shape_cast %add3A_119 : vector<16xf32> to vector<1x16xf32>
        tpu.vector_store %arg11[%swap3A_120, %swap3A_121], %swap3A_124 {strides = array<i32>} : memref<80x144xf32, #tpu.memory_space<vmem>>, vector<1x16xf32>,
        %get3A_125 = arith.index_cast %scan3A_28 : i32 to index
        %get3A_126 = arith.constant 112 : index
        %get3A_127 = tpu.vector_load %arg9[%get3A_125, %get3A_126] {strides = array<i32>} : memref<80x144xf32, #tpu.memory_space<vmem>>, vector<1x16xf32>,
        %get3A_128 = vector.shape_cast %get3A_127 : vector<1x16xf32> to vector<16xf32>
        %get3A_129 = arith.index_cast %scan3A_28 : i32 to index
        %get3A_130 = arith.constant 112 : index
        %get3A_131 = tpu.vector_load %arg10[%get3A_129, %get3A_130] {strides = array<i32>} : memref<80x144xf32, #tpu.memory_space<vmem>>, vector<1x16xf32>,
        %get3A_132 = vector.shape_cast %get3A_131 : vector<1x16xf32> to vector<16xf32>
        %add3A_133 = arith.addf %get3A_128, %get3A_132 : vector<16xf32>
        %swap3A_134 = arith.index_cast %scan3A_28 : i32 to index
        %swap3A_135 = arith.constant 112 : index
        %swap3A_136 = tpu.vector_load %arg11[%swap3A_134, %swap3A_135] {strides = array<i32>} : memref<80x144xf32, #tpu.memory_space<vmem>>, vector<1x16xf32>,
        %swap3A_137 = vector.shape_cast %swap3A_136 : vector<1x16xf32> to vector<16xf32>
        %swap3A_138 = vector.shape_cast %add3A_133 : vector<16xf32> to vector<1x16xf32>
        tpu.vector_store %arg11[%swap3A_134, %swap3A_135], %swap3A_138 {strides = array<i32>} : memref<80x144xf32, #tpu.memory_space<vmem>>, vector<1x16xf32>,
        %get3A_139 = arith.index_cast %scan3A_28 : i32 to index
        %get3A_140 = arith.constant 128 : index
        %get3A_141 = tpu.vector_load %arg9[%get3A_139, %get3A_140] {strides = array<i32>} : memref<80x144xf32, #tpu.memory_space<vmem>>, vector<1x16xf32>,
        %get3A_142 = vector.shape_cast %get3A_141 : vector<1x16xf32> to vector<16xf32>
        %get3A_143 = arith.index_cast %scan3A_28 : i32 to index
        %get3A_144 = arith.constant 128 : index
        %get3A_145 = tpu.vector_load %arg10[%get3A_143, %get3A_144] {strides = array<i32>} : memref<80x144xf32, #tpu.memory_space<vmem>>, vector<1x16xf32>,
        %get3A_146 = vector.shape_cast %get3A_145 : vector<1x16xf32> to vector<16xf32>
        %sub3A = arith.subf %get3A_142, %get3A_146 : vector<16xf32>
        %slice3A = vector.extract_strided_slice %sub3A {offsets = [0], sizes = [1], strides = [1]} : vector<16xf32> to vector<1xf32>
        %squeeze3A = vector.extract %slice3A[0] : f32 from vector<1xf32>
        %slice3A_147 = vector.extract_strided_slice %sub3A {offsets = [0], sizes = [1], strides = [1]} : vector<16xf32> to vector<1xf32>
        %squeeze3A_148 = vector.extract %slice3A_147[0] : f32 from vector<1xf32>
        %mul3A_149 = arith.mulf %squeeze3A, %squeeze3A_148 : f32
        %slice3A_150 = vector.extract_strided_slice %sub3A {offsets = [1], sizes = [1], strides = [1]} : vector<16xf32> to vector<1xf32>
        %squeeze3A_151 = vector.extract %slice3A_150[0] : f32 from vector<1xf32>
        %slice3A_152 = vector.extract_strided_slice %sub3A {offsets = [1], sizes = [1], strides = [1]} : vector<16xf32> to vector<1xf32>
        %squeeze3A_153 = vector.extract %slice3A_152[0] : f32 from vector<1xf32>
        %mul3A_154 = arith.mulf %squeeze3A_151, %squeeze3A_153 : f32
        %add3A_155 = arith.addf %mul3A_149, %mul3A_154 : f32
        %slice3A_156 = vector.extract_strided_slice %sub3A {offsets = [2], sizes = [1], strides = [1]} : vector<16xf32> to vector<1xf32>
        %squeeze3A_157 = vector.extract %slice3A_156[0] : f32 from vector<1xf32>
        %slice3A_158 = vector.extract_strided_slice %sub3A {offsets = [2], sizes = [1], strides = [1]} : vector<16xf32> to vector<1xf32>
        %squeeze3A_159 = vector.extract %slice3A_158[0] : f32 from vector<1xf32>
        %mul3A_160 = arith.mulf %squeeze3A_157, %squeeze3A_159 : f32
        %add3A_161 = arith.addf %add3A_155, %mul3A_160 : f32
        %broadcast_in_dim3A = vector.broadcast %add3A_161 : f32 to vector<16xf32>
        %swap3A_162 = arith.index_cast %scan3A_28 : i32 to index
        %swap3A_163 = arith.constant 128 : index
        %swap3A_164 = tpu.vector_load %arg11[%swap3A_162, %swap3A_163] {strides = array<i32>} : memref<80x144xf32, #tpu.memory_space<vmem>>, vector<1x16xf32>,
        %swap3A_165 = vector.shape_cast %swap3A_164 : vector<1x16xf32> to vector<16xf32>
        %swap3A_166 = vector.shape_cast %broadcast_in_dim3A : vector<16xf32> to vector<1x16xf32>
        tpu.vector_store %arg11[%swap3A_162, %swap3A_163], %swap3A_166 {strides = array<i32>} : memref<80x144xf32, #tpu.memory_space<vmem>>, vector<1x16xf32>,
      }
      %scan3A_27 = arith.constant 80 : i32
      "tpu.region"() ({
        %run_scoped3A = tpu.sem_alloc : memref<!tpu.dma_semaphore, #tpu.memory_space<semaphore_mem>>
        %dma_start3A_28 = arith.constant 0 : i32
        %dma_start3A_29 = tpu.memref_slice %arg6[%add3A_11, %dma_start3A_28] : memref<320000x144xf32, #tpu.memory_space<hbm>> -> memref<80x144xf32, #tpu.memory_space<hbm>>
        %dma_start3A_30 = arith.constant 0 : i32
        %dma_start3A_31 = tpu.memref_slice %arg6[%add3A_11, %dma_start3A_30] : memref<320000x144xf32, #tpu.memory_space<hbm>> -> memref<80x144xf32, #tpu.memory_space<hbm>>
        tpu.enqueue_dma source(%arg11 : memref<80x144xf32, #tpu.memory_space<vmem>>) target(%dma_start3A_31 : memref<80x144xf32, #tpu.memory_space<hbm>>) target_semaphore(%run_scoped3A : memref<!tpu.dma_semaphore, #tpu.memory_space<semaphore_mem>>)
        %dma_wait3A_32 = arith.constant 0 : i32
        %dma_wait3A_33 = tpu.memref_slice %arg6[%add3A_11, %dma_wait3A_32] : memref<320000x144xf32, #tpu.memory_space<hbm>> -> memref<80x144xf32, #tpu.memory_space<hbm>>
        %dma_wait3A_34 = arith.constant 0 : i32
        %dma_wait3A_35 = tpu.memref_slice %arg6[%add3A_11, %dma_wait3A_34] : memref<320000x144xf32, #tpu.memory_space<hbm>> -> memref<80x144xf32, #tpu.memory_space<hbm>>
        tpu.wait_dma2 semaphore(%run_scoped3A : memref<!tpu.dma_semaphore, #tpu.memory_space<semaphore_mem>>) src(%arg11 : memref<80x144xf32, #tpu.memory_space<vmem>>) dst(%dma_wait3A_35 : memref<80x144xf32, #tpu.memory_space<hbm>>)
        tpu.yield
      }) : () -> ()
    }
    %scan3A_5 = arith.constant 125 : i32
    return
  }
}

module attributes {stable_mosaic.version = 14 : i64} {
  func.func @_prep_body(%arg0: i32, %arg1: memref<2000x128xf32, #tpu.memory_space<vmem>>, %arg2: memref<2000x16xf32, #tpu.memory_space<vmem>>, %arg3: memref<128x128xf32, #tpu.memory_space<vmem>>, %arg4: memref<128x128xf32, #tpu.memory_space<vmem>>, %arg5: memref<1x128xf32, #tpu.memory_space<vmem>>, %arg6: memref<2000x144xf32, #tpu.memory_space<vmem>>, %arg7: memref<2000x144xf32, #tpu.memory_space<vmem>>) attributes {dimension_semantics = [#tpu.dimension_semantics<arbitrary>], iteration_bounds = array<i64: 5>, scalar_prefetch = 0 : i64, scratch_operands = 0 : i64, tpu.core_type = #tpu.core_type<tc>, window_params = [{transform_indices = @transform_0, window_bounds = array<i64: 2000, 128>}, {transform_indices = @transform_1, window_bounds = array<i64: 2000, 16>}, {pipeline_mode = #tpu.pipeline_mode<synchronous>, transform_indices = @transform_2, window_bounds = array<i64: 128, 128>}, {pipeline_mode = #tpu.pipeline_mode<synchronous>, transform_indices = @transform_3, window_bounds = array<i64: 128, 128>}, {pipeline_mode = #tpu.pipeline_mode<synchronous>, transform_indices = @transform_4, window_bounds = array<i64: 1, 128>}, {transform_indices = @transform_5, window_bounds = array<i64: 2000, 144>}, {transform_indices = @transform_6, window_bounds = array<i64: 2000, 144>}]} {
    %get3A = arith.constant 0 : index
    %get3A_0 = arith.constant 0 : index
    %get3A_1 = vector.load %arg1[%get3A, %get3A_0] : memref<2000x128xf32, #tpu.memory_space<vmem>>, vector<2000x128xf32>
    %get3A_2 = arith.constant 0 : index
    %get3A_3 = arith.constant 0 : index
    %get3A_4 = vector.load %arg2[%get3A_2, %get3A_3] : memref<2000x16xf32, #tpu.memory_space<vmem>>, vector<2000x16xf32>
    %get3A_5 = arith.constant 0 : index
    %get3A_6 = arith.constant 0 : index
    %get3A_7 = vector.load %arg3[%get3A_5, %get3A_6] : memref<128x128xf32, #tpu.memory_space<vmem>>, vector<128x128xf32>
    %dot_general3A = arith.constant dense<0.000000e+00> : vector<2000x128xf32>
    %dot_general3A_8 = tpu.matmul %get3A_1, %get3A_7, %dot_general3A {dimension_numbers = #tpu.dot_dimension_numbers<[1], [0], [0], [1], [0, 0, 1, 1], [], []>, transpose_lhs_hint = false} : vector<2000x128xf32>, vector<128x128xf32>, vector<2000x128xf32> -> vector<2000x128xf32>
    %get3A_9 = arith.constant 0 : index
    %get3A_10 = arith.constant 0 : index
    %get3A_11 = vector.load %arg5[%get3A_9, %get3A_10] : memref<1x128xf32, #tpu.memory_space<vmem>>, vector<1x128xf32>
    %add3A = vector.broadcast %get3A_11 : vector<1x128xf32> to vector<2000x128xf32>
    %add3A_12 = arith.addf %dot_general3A_8, %add3A : vector<2000x128xf32>
    %get3A_13 = arith.constant 0 : index
    %get3A_14 = arith.constant 0 : index
    %get3A_15 = vector.load %arg4[%get3A_13, %get3A_14] : memref<128x128xf32, #tpu.memory_space<vmem>>, vector<128x128xf32>
    %dot_general3A_16 = arith.constant dense<0.000000e+00> : vector<2000x128xf32>
    %dot_general3A_17 = tpu.matmul %get3A_1, %get3A_15, %dot_general3A_16 {dimension_numbers = #tpu.dot_dimension_numbers<[1], [0], [0], [1], [0, 0, 1, 1], [], []>, transpose_lhs_hint = false} : vector<2000x128xf32>, vector<128x128xf32>, vector<2000x128xf32> -> vector<2000x128xf32>
    %concatenate3A = tpu.concatenate %add3A_12, %get3A_4 in 1 : vector<2000x128xf32>, vector<2000x16xf32> -> vector<2000x144xf32>
    %swap3A = arith.constant 0 : index
    %swap3A_18 = arith.constant 0 : index
    %swap3A_19 = vector.load %arg6[%swap3A, %swap3A_18] : memref<2000x144xf32, #tpu.memory_space<vmem>>, vector<2000x144xf32>
    tpu.vector_store %arg6[%swap3A, %swap3A_18], %concatenate3A {strides = array<i32>} : memref<2000x144xf32, #tpu.memory_space<vmem>>, vector<2000x144xf32>,
    %concatenate3A_20 = tpu.concatenate %dot_general3A_17, %get3A_4 in 1 : vector<2000x128xf32>, vector<2000x16xf32> -> vector<2000x144xf32>
    %swap3A_21 = arith.constant 0 : index
    %swap3A_22 = arith.constant 0 : index
    %swap3A_23 = vector.load %arg7[%swap3A_21, %swap3A_22] : memref<2000x144xf32, #tpu.memory_space<vmem>>, vector<2000x144xf32>
    tpu.vector_store %arg7[%swap3A_21, %swap3A_22], %concatenate3A_20 {strides = array<i32>} : memref<2000x144xf32, #tpu.memory_space<vmem>>, vector<2000x144xf32>,
    return
  }
  func.func @transform_0(%arg0: i32) -> (i32, i32) {
    %c0_i32 = arith.constant 0 : i32
    %c0_i32_0 = arith.constant 0 : i32
    return %arg0, %c0_i32 : i32, i32
  }
  func.func @transform_1(%arg0: i32) -> (i32, i32) {
    %c0_i32 = arith.constant 0 : i32
    %c0_i32_0 = arith.constant 0 : i32
    return %arg0, %c0_i32 : i32, i32
  }
  func.func @transform_2(%arg0: i32) -> (i32, i32) {
    %c0_i32 = arith.constant 0 : i32
    %c0_i32_0 = arith.constant 0 : i32
    %c0_i32_1 = arith.constant 0 : i32
    return %c0_i32, %c0_i32_0 : i32, i32
  }
  func.func @transform_3(%arg0: i32) -> (i32, i32) {
    %c0_i32 = arith.constant 0 : i32
    %c0_i32_0 = arith.constant 0 : i32
    %c0_i32_1 = arith.constant 0 : i32
    return %c0_i32, %c0_i32_0 : i32, i32
  }
  func.func @transform_4(%arg0: i32) -> (i32, i32) {
    %c0_i32 = arith.constant 0 : i32
    %c0_i32_0 = arith.constant 0 : i32
    %c0_i32_1 = arith.constant 0 : i32
    return %c0_i32, %c0_i32_0 : i32, i32
  }
  func.func @transform_5(%arg0: i32) -> (i32, i32) {
    %c0_i32 = arith.constant 0 : i32
    %c0_i32_0 = arith.constant 0 : i32
    return %arg0, %c0_i32 : i32, i32
  }
  func.func @transform_6(%arg0: i32) -> (i32, i32) {
    %c0_i32 = arith.constant 0 : i32
    %c0_i32_0 = arith.constant 0 : i32
    return %arg0, %c0_i32 : i32, i32
  }
}

module attributes {stable_mosaic.version = 14 : i64} {
  func.func @_edge_body(%arg0: i32, %arg1: memref<2000x144xf32, #tpu.memory_space<vmem>>, %arg2: memref<1x128xf32, #tpu.memory_space<vmem>>, %arg3: memref<128x128xf32, #tpu.memory_space<vmem>>, %arg4: memref<1x128xf32, #tpu.memory_space<vmem>>, %arg5: memref<2000x128xf32, #tpu.memory_space<vmem>>) attributes {dimension_semantics = [#tpu.dimension_semantics<arbitrary>], iteration_bounds = array<i64: 160>, scalar_prefetch = 0 : i64, scratch_operands = 0 : i64, tpu.core_type = #tpu.core_type<tc>, window_params = [{transform_indices = @transform_0, window_bounds = array<i64: 2000, 144>}, {pipeline_mode = #tpu.pipeline_mode<synchronous>, transform_indices = @transform_1, window_bounds = array<i64: 1, 128>}, {pipeline_mode = #tpu.pipeline_mode<synchronous>, transform_indices = @transform_2, window_bounds = array<i64: 128, 128>}, {pipeline_mode = #tpu.pipeline_mode<synchronous>, transform_indices = @transform_3, window_bounds = array<i64: 1, 128>}, {transform_indices = @transform_4, window_bounds = array<i64: 2000, 128>}]} {
    %get3A = arith.constant 0 : index
    %get3A_0 = arith.constant 0 : index
    %get3A_1 = vector.load %arg1[%get3A, %get3A_0] : memref<2000x144xf32, #tpu.memory_space<vmem>>, vector<2000x144xf32>
    %slice3A = vector.extract_strided_slice %get3A_1 {offsets = [0, 0], sizes = [2000, 128], strides = [1, 1]} : vector<2000x144xf32> to vector<2000x128xf32>
    %slice3A_2 = vector.extract_strided_slice %get3A_1 {offsets = [0, 128], sizes = [2000, 1], strides = [1, 1]} : vector<2000x144xf32> to vector<2000x1xf32>
    %sqrt3A = math.sqrt %slice3A_2 : vector<2000x1xf32>
    %get3A_3 = arith.constant 0 : index
    %get3A_4 = arith.constant 0 : index
    %get3A_5 = vector.load %arg2[%get3A_3, %get3A_4] : memref<1x128xf32, #tpu.memory_space<vmem>>, vector<1x128xf32>
    %mul3A = vector.broadcast %sqrt3A : vector<2000x1xf32> to vector<2000x128xf32>
    %mul3A_6 = vector.broadcast %get3A_5 : vector<1x128xf32> to vector<2000x128xf32>
    %mul3A_7 = arith.mulf %mul3A, %mul3A_6 : vector<2000x128xf32>
    %add3A = arith.addf %slice3A, %mul3A_7 : vector<2000x128xf32>
    %max3A = arith.constant 0.000000e+00 : f32
    %max3A_8 = vector.broadcast %max3A : f32 to vector<2000x128xf32>
    %max3A_9 = arith.maximumf %add3A, %max3A_8 : vector<2000x128xf32>
    %get3A_10 = arith.constant 0 : index
    %get3A_11 = arith.constant 0 : index
    %get3A_12 = vector.load %arg3[%get3A_10, %get3A_11] : memref<128x128xf32, #tpu.memory_space<vmem>>, vector<128x128xf32>
    %dot_general3A = arith.constant dense<0.000000e+00> : vector<2000x128xf32>
    %dot_general3A_13 = tpu.matmul %max3A_9, %get3A_12, %dot_general3A {dimension_numbers = #tpu.dot_dimension_numbers<[1], [0], [0], [1], [0, 0, 1, 1], [], []>, transpose_lhs_hint = false} : vector<2000x128xf32>, vector<128x128xf32>, vector<2000x128xf32> -> vector<2000x128xf32>
    %get3A_14 = arith.constant 0 : index
    %get3A_15 = arith.constant 0 : index
    %get3A_16 = vector.load %arg4[%get3A_14, %get3A_15] : memref<1x128xf32, #tpu.memory_space<vmem>>, vector<1x128xf32>
    %add3A_17 = vector.broadcast %get3A_16 : vector<1x128xf32> to vector<2000x128xf32>
    %add3A_18 = arith.addf %dot_general3A_13, %add3A_17 : vector<2000x128xf32>
    %max3A_19 = arith.constant 0.000000e+00 : f32
    %max3A_20 = vector.broadcast %max3A_19 : f32 to vector<2000x128xf32>
    %max3A_21 = arith.maximumf %add3A_18, %max3A_20 : vector<2000x128xf32>
    %swap3A = arith.constant 0 : index
    %swap3A_22 = arith.constant 0 : index
    %swap3A_23 = vector.load %arg5[%swap3A, %swap3A_22] : memref<2000x128xf32, #tpu.memory_space<vmem>>, vector<2000x128xf32>
    tpu.vector_store %arg5[%swap3A, %swap3A_22], %max3A_21 {strides = array<i32>} : memref<2000x128xf32, #tpu.memory_space<vmem>>, vector<2000x128xf32>,
    return
  }
  func.func @transform_0(%arg0: i32) -> (i32, i32) {
    %c0_i32 = arith.constant 0 : i32
    %c0_i32_0 = arith.constant 0 : i32
    return %arg0, %c0_i32 : i32, i32
  }
  func.func @transform_1(%arg0: i32) -> (i32, i32) {
    %c0_i32 = arith.constant 0 : i32
    %c0_i32_0 = arith.constant 0 : i32
    %c0_i32_1 = arith.constant 0 : i32
    return %c0_i32, %c0_i32_0 : i32, i32
  }
  func.func @transform_2(%arg0: i32) -> (i32, i32) {
    %c0_i32 = arith.constant 0 : i32
    %c0_i32_0 = arith.constant 0 : i32
    %c0_i32_1 = arith.constant 0 : i32
    return %c0_i32, %c0_i32_0 : i32, i32
  }
  func.func @transform_3(%arg0: i32) -> (i32, i32) {
    %c0_i32 = arith.constant 0 : i32
    %c0_i32_0 = arith.constant 0 : i32
    %c0_i32_1 = arith.constant 0 : i32
    return %c0_i32, %c0_i32_0 : i32, i32
  }
  func.func @transform_4(%arg0: i32) -> (i32, i32) {
    %c0_i32 = arith.constant 0 : i32
    %c0_i32_0 = arith.constant 0 : i32
    return %arg0, %c0_i32 : i32, i32
  }
}

module attributes {stable_mosaic.version = 14 : i64} {
  func.func @_final_body(%arg0: i32, %arg1: memref<2000x128xf32, #tpu.memory_space<vmem>>, %arg2: memref<2000x128xf32, #tpu.memory_space<vmem>>, %arg3: memref<2000x128xf32, #tpu.memory_space<vmem>>, %arg4: memref<2000x16xf32, #tpu.memory_space<vmem>>, %arg5: memref<2000x16xf32, #tpu.memory_space<vmem>>, %arg6: memref<256x128xf32, #tpu.memory_space<vmem>>, %arg7: memref<1x128xf32, #tpu.memory_space<vmem>>, %arg8: memref<2000x128xf32, #tpu.memory_space<vmem>>) attributes {dimension_semantics = [#tpu.dimension_semantics<arbitrary>], iteration_bounds = array<i64: 5>, scalar_prefetch = 0 : i64, scratch_operands = 0 : i64, tpu.core_type = #tpu.core_type<tc>, window_params = [{transform_indices = @transform_0, window_bounds = array<i64: 2000, 128>}, {transform_indices = @transform_1, window_bounds = array<i64: 2000, 128>}, {transform_indices = @transform_2, window_bounds = array<i64: 2000, 128>}, {transform_indices = @transform_3, window_bounds = array<i64: 2000, 16>}, {transform_indices = @transform_4, window_bounds = array<i64: 2000, 16>}, {pipeline_mode = #tpu.pipeline_mode<synchronous>, transform_indices = @transform_5, window_bounds = array<i64: 256, 128>}, {pipeline_mode = #tpu.pipeline_mode<synchronous>, transform_indices = @transform_6, window_bounds = array<i64: 1, 128>}, {transform_indices = @transform_7, window_bounds = array<i64: 2000, 128>}]} {
    %get3A = arith.constant 0 : index
    %get3A_0 = arith.constant 0 : index
    %get3A_1 = vector.load %arg4[%get3A, %get3A_0] : memref<2000x16xf32, #tpu.memory_space<vmem>>, vector<2000x16xf32>
    %slice3A = vector.extract_strided_slice %get3A_1 {offsets = [0, 0], sizes = [2000, 1], strides = [1, 1]} : vector<2000x16xf32> to vector<2000x1xf32>
    %get3A_2 = arith.constant 0 : index
    %get3A_3 = arith.constant 0 : index
    %get3A_4 = vector.load %arg5[%get3A_2, %get3A_3] : memref<2000x16xf32, #tpu.memory_space<vmem>>, vector<2000x16xf32>
    %slice3A_5 = vector.extract_strided_slice %get3A_4 {offsets = [0, 0], sizes = [2000, 1], strides = [1, 1]} : vector<2000x16xf32> to vector<2000x1xf32>
    %add3A = arith.addf %slice3A, %slice3A_5 : vector<2000x1xf32>
    %get3A_6 = arith.constant 0 : index
    %get3A_7 = arith.constant 0 : index
    %get3A_8 = vector.load %arg2[%get3A_6, %get3A_7] : memref<2000x128xf32, #tpu.memory_space<vmem>>, vector<2000x128xf32>
    %get3A_9 = arith.constant 0 : index
    %get3A_10 = arith.constant 0 : index
    %get3A_11 = vector.load %arg3[%get3A_9, %get3A_10] : memref<2000x128xf32, #tpu.memory_space<vmem>>, vector<2000x128xf32>
    %add3A_12 = arith.addf %get3A_8, %get3A_11 : vector<2000x128xf32>
    %jit3A = arith.constant 1.000000e+00 : f32
    %max3A = vector.broadcast %jit3A : f32 to vector<2000x1xf32>
    %max3A_13 = arith.maximumf %max3A, %add3A : vector<2000x1xf32>
    %div3A = vector.broadcast %max3A_13 : vector<2000x1xf32> to vector<2000x128xf32>
    %div3A_14 = arith.divf %add3A_12, %div3A : vector<2000x128xf32>
    %get3A_15 = arith.constant 0 : index
    %get3A_16 = arith.constant 0 : index
    %get3A_17 = vector.load %arg1[%get3A_15, %get3A_16] : memref<2000x128xf32, #tpu.memory_space<vmem>>, vector<2000x128xf32>
    %concatenate3A = tpu.concatenate %get3A_17, %div3A_14 in 1 : vector<2000x128xf32>, vector<2000x128xf32> -> vector<2000x256xf32>
    %get3A_18 = arith.constant 0 : index
    %get3A_19 = arith.constant 0 : index
    %get3A_20 = vector.load %arg6[%get3A_18, %get3A_19] : memref<256x128xf32, #tpu.memory_space<vmem>>, vector<256x128xf32>
    %dot_general3A = arith.constant dense<0.000000e+00> : vector<2000x128xf32>
    %dot_general3A_21 = tpu.matmul %concatenate3A, %get3A_20, %dot_general3A {dimension_numbers = #tpu.dot_dimension_numbers<[1], [0], [0], [1], [0, 0, 1, 1], [], []>, transpose_lhs_hint = false} : vector<2000x256xf32>, vector<256x128xf32>, vector<2000x128xf32> -> vector<2000x128xf32>
    %get3A_22 = arith.constant 0 : index
    %get3A_23 = arith.constant 0 : index
    %get3A_24 = vector.load %arg7[%get3A_22, %get3A_23] : memref<1x128xf32, #tpu.memory_space<vmem>>, vector<1x128xf32>
    %add3A_25 = vector.broadcast %get3A_24 : vector<1x128xf32> to vector<2000x128xf32>
    %add3A_26 = arith.addf %dot_general3A_21, %add3A_25 : vector<2000x128xf32>
    %max3A_27 = arith.constant 0.000000e+00 : f32
    %max3A_28 = vector.broadcast %max3A_27 : f32 to vector<2000x128xf32>
    %max3A_29 = arith.maximumf %add3A_26, %max3A_28 : vector<2000x128xf32>
    %swap3A = arith.constant 0 : index
    %swap3A_30 = arith.constant 0 : index
    %swap3A_31 = vector.load %arg8[%swap3A, %swap3A_30] : memref<2000x128xf32, #tpu.memory_space<vmem>>, vector<2000x128xf32>
    tpu.vector_store %arg8[%swap3A, %swap3A_30], %max3A_29 {strides = array<i32>} : memref<2000x128xf32, #tpu.memory_space<vmem>>, vector<2000x128xf32>,
    return
  }
  func.func @transform_0(%arg0: i32) -> (i32, i32) {
    %c0_i32 = arith.constant 0 : i32
    %c0_i32_0 = arith.constant 0 : i32
    return %arg0, %c0_i32 : i32, i32
  }
  func.func @transform_1(%arg0: i32) -> (i32, i32) {
    %c0_i32 = arith.constant 0 : i32
    %c0_i32_0 = arith.constant 0 : i32
    return %arg0, %c0_i32 : i32, i32
  }
  func.func @transform_2(%arg0: i32) -> (i32, i32) {
    %c0_i32 = arith.constant 0 : i32
    %c0_i32_0 = arith.constant 0 : i32
    return %arg0, %c0_i32 : i32, i32
  }
  func.func @transform_3(%arg0: i32) -> (i32, i32) {
    %c0_i32 = arith.constant 0 : i32
    %c0_i32_0 = arith.constant 0 : i32
    return %arg0, %c0_i32 : i32, i32
  }
  func.func @transform_4(%arg0: i32) -> (i32, i32) {
    %c0_i32 = arith.constant 0 : i32
    %c0_i32_0 = arith.constant 0 : i32
    return %arg0, %c0_i32 : i32, i32
  }
  func.func @transform_5(%arg0: i32) -> (i32, i32) {
    %c0_i32 = arith.constant 0 : i32
    %c0_i32_0 = arith.constant 0 : i32
    %c0_i32_1 = arith.constant 0 : i32
    return %c0_i32, %c0_i32_0 : i32, i32
  }
  func.func @transform_6(%arg0: i32) -> (i32, i32) {
    %c0_i32 = arith.constant 0 : i32
    %c0_i32_0 = arith.constant 0 : i32
    %c0_i32_1 = arith.constant 0 : i32
    return %c0_i32, %c0_i32_0 : i32, i32
  }
  func.func @transform_7(%arg0: i32) -> (i32, i32) {
    %c0_i32 = arith.constant 0 : i32
    %c0_i32_0 = arith.constant 0 : i32
    return %arg0, %c0_i32 : i32, i32
  }
}

</mosaic_0001>

<sc_bundles>
// kernel: kernel.10.cloned.1.call-start
scs
__scs_entry_jumppad:
0x0: {  	(pc) =	sbr.rel $0x88, $3  }
0x1: {  	(tag) =	ssettag $0x0;
	lr =	simm.s32 $0x1  }
0x2: {  	[smem:$0x3F98] =	sst lr;
	_ =	strace $0xD0000000  }
0x3: {  	_ = 	snop  }
0x4: {  	_ = 	snop  }
0x5: {  	_ = 	snop  }
0x6: {  	_ = 	snop  }
0x7: {  	_ = 	snop  }
__scs_overlays_trampoline_lowered:
0x8: {  	[smem:$0x3FA7] =	sst s0  }
0x9: {  	[smem:$0x3FA8] =	sst s1  }
0xa: {  	[smem:$0x3FA9] =	sst s2  }
0xb: {  	[smem:$0x3FAA] =	sst s3  }
0xc: {  	[smem:$0x3FAB] =	sst s4  }
0xd: {  	[smem:$0x3FAC] =	sst s5  }
0xe: {  	[smem:$0x3FAD] =	sst s6  }
0xf: {  	[smem:$0x3FAE] =	sst s7  }
0x10: {  	[smem:$0x3FAF] =	sst s8  }
0x11: {  	[smem:$0x3FB0] =	sst s9;
	s0 =	simm.s32 @!p0 $0x0  }
0x12: {  	s1 =	sld [smem:$0x3F96];
	s0 =	simm.s32 @p0 $0x1  }
0x13: {  	[smem:$0x3FB1] =	sst s0;
	s0 =	simm.s32 @!p1 $0x0  }
0x14: {  	s2 =	sld [smem:$0x3F95];
	s0 =	simm.s32 @p1 $0x1  }
0x15: {  	[smem:$0x3FB2] =	sst s0;
	s0 =	simm.s32 @!p2 $0x0  }
0x16: {  	s3 =	sld [smem:$0x3FDB];
	s0 =	simm.s32 @p2 $0x1  }
0x17: {  	s4 =	simm.s32 $0x1BF5;
	[smem:$0x3FB4] =	sst s0  }
0x18: {  	s0 =	sld [smem:$0x3F97];
	_ =	swait.ge [sflag:s4], $0x0  }
0x19: {  	s7 =	sld [smem:$0x3F98]  }
0x1a: {  	s8 =	sadd.s32 $0xFFFFE003, lr  }
0x1b: {  	s9 =	sadd.s32 $0xFFFFFEF7, lr;
	s5 =	simm.s32 $0xFFFFFFFF;
	p2 =	slt.u32 s8, $0xFFFFF086  }
0x1c: {  	p1 =	slt.u32 s9, $0xF7A;
	s5 =	simm.s32 @!p2 $0x0  }
0x1d: {  	s5 =	simm.s32 @p1 $0x1;
	p0 =	seq.s32 s7, s2  }
0x1e: {  	s7 =	smul.u32 @!p0 $0xF7A, s2;
	p2 =	seq.s32 @!p0 s5, $0x0  }
0x1f: {  	s9 =	smul.u32 $0xF7A, s1;
	s8 =	simm.s32 @!p0 $0x1BF5;
	p2 =	por !p2, p0  }
0x20: {  	[sflag:s8] =	ssyncset.s32 @!p0 $0xFFFFF086;
	s6 =	sadd.s32 @!p0 s3, s7;
	s7 =	simm.s32 @!p0 $0x108  }
0x21: {  	s3 =	sadd.s32 s3, s9;
	s6 =	sadd.s32 @!p0 $0x88, s6;
	s7 =	simm.s32 @p2 $0x1082  }
0x22: {  	[simem:s7], [sflag:s8] =	dma.local @!p0 [hbm:s6], $0xF7A  }
0x23: {  	s9 =	sor.u32 $0xD0000000, s2;
	s6 =	simm.s32 $0x108;
	_ =	swait.ge @!p0 [sflag:s8], $0x0  }
0x24: {  	s3 =	sadd.s32 $0x88, s3;
	s6 =	simm.s32 @!p1 $0x1082;
	[sflag:s4] =	ssyncset.s32 $0xFFFFF086  }
0x25: {  	[simem:s6], [sflag:s4] =	dma.local [hbm:s3], $0xF7A  }
0x26: {  	[smem:$0x3F98] =	sst s1;
	(tag) =	ssettag s2;
	_ =	strace s9  }
0x27: {  	s1 =	sld [smem:$0x3FA8]  }
0x28: {  	s2 =	sld [smem:$0x3FA9]  }
0x29: {  	s4 =	sld [smem:$0x3FAB]  }
0x2a: {  	p0 =	seq.s32 s5, $0x0;
	s5 =	sld [smem:$0x3FAC]  }
0x2b: {  	s6 =	sld [smem:$0x3FAD]  }
0x2c: {  	s7 =	sld [smem:$0x3FAE]  }
0x2d: {  	s3 =	simm.s32 $0x108;
	s8 =	sld [smem:$0x3FAF]  }
0x2e: {  	s3 =	simm.s32 @!p0 $0x1082;
	s9 =	sld [smem:$0x3FB0]  }
0x2f: {  	lr =	sadd.s32 s0, s3;
	s0 =	sld [smem:$0x3FA7]  }
0x30: {  	s3 =	sld [smem:$0x3FAA]  }
0x31: {  	[smem:$0x3FB3] =	sst s10  }
0x32: {  	s10 =	sld [smem:$0x3FB1];
	_ =	sdelay $0x3  }
0x33: {  	p0 =	seq.s32 s10, $0x1;
	s10 =	sld [smem:$0x3FB3];
	_ =	sdelay $0x3  }
0x34: {  	[smem:$0x3FB3] =	sst s10  }
0x35: {  	s10 =	sld [smem:$0x3FB2];
	_ =	sdelay $0x3  }
0x36: {  	p1 =	seq.s32 s10, $0x1;
	s10 =	sld [smem:$0x3FB3];
	_ =	sdelay $0x3  }
0x37: {  	[smem:$0x3FB3] =	sst s10  }
0x38: {  	s10 =	sld [smem:$0x3FB4]  }
0x39: {  	_ = 	snop;
	(pc) =	sbr.ind lr, $3  }
0x3a: {  	_ = 	snop  }
0x3b: {  	_ = 	snop  }
0x3c: {  	p2 =	seq.s32 s10, $0x1;
	s10 =	sld [smem:$0x3FB3]  }
0x3d: {  	_ =	shalt  }
0x3e: {  	_ =	shalt  }
0x3f: {  	_ =	shalt  }
0x40: {  	_ =	shalt  }
0x41: {  	_ =	shalt  }
0x42: {  	_ =	shalt  }
0x43: {  	_ =	shalt  }
0x44: {  	_ =	shalt  }
0x45: {  	_ =	shalt  }
0x46: {  	_ =	shalt  }
0x47: {  	_ =	shalt  }
0x48: {  	_ =	shalt  }
0x49: {  	_ =	shalt  }
0x4a: {  	_ =	shalt  }
0x4b: {  	_ =	shalt  }
0x4c: {  	_ =	shalt  }
0x4d: {  	_ =	shalt  }
0x4e: {  	_ =	shalt  }
0x4f: {  	_ =	shalt  }
0x50: {  	_ =	shalt  }
0x51: {  	_ =	shalt  }
0x52: {  	_ =	shalt  }
0x53: {  	_ =	shalt  }
0x54: {  	_ =	shalt  }
0x55: {  	_ =	shalt  }
0x56: {  	_ =	shalt  }
0x57: {  	_ =	shalt  }
0x58: {  	_ =	shalt  }
0x59: {  	_ =	shalt  }
0x5a: {  	_ =	shalt  }
0x5b: {  	_ =	shalt  }
0x5c: {  	_ =	shalt  }
0x5d: {  	_ =	shalt  }
0x5e: {  	_ =	shalt  }
0x5f: {  	_ =	shalt  }
0x60: {  	_ =	shalt  }
0x61: {  	_ =	shalt  }
0x62: {  	_ =	shalt  }
0x63: {  	_ =	shalt  }
0x64: {  	_ =	shalt  }
0x65: {  	_ =	shalt  }
0x66: {  	_ =	shalt  }
0x67: {  	_ =	shalt  }
0x68: {  	_ =	shalt  }
0x69: {  	_ =	shalt  }
0x6a: {  	_ =	shalt  }
0x6b: {  	_ =	shalt  }
0x6c: {  	_ =	shalt  }
0x6d: {  	_ =	shalt  }
0x6e: {  	_ =	shalt  }
0x6f: {  	_ =	shalt  }
0x70: {  	_ =	shalt  }
0x71: {  	_ =	shalt  }
0x72: {  	_ =	shalt  }
0x73: {  	_ =	shalt  }
0x74: {  	_ =	shalt  }
0x75: {  	_ =	shalt  }
0x76: {  	_ =	shalt  }
0x77: {  	_ =	shalt  }
0x78: {  	_ =	shalt  }
0x79: {  	_ =	shalt  }
0x7a: {  	_ =	shalt  }
0x7b: {  	_ =	shalt  }
0x7c: {  	_ =	shalt  }
0x7d: {  	_ =	shalt  }
0x7e: {  	_ =	shalt  }
0x7f: {  	_ =	shalt  }
0x80: {  	_ =	shalt  }
0x81: {  	_ =	shalt  }
0x82: {  	_ =	shalt  }
0x83: {  	_ =	shalt  }
0x84: {  	_ =	shalt  }
0x85: {  	_ =	shalt  }
0x86: {  	_ =	shalt  }
0x87: {  	_ =	shalt  }
.Lfunc_end0:
.L_simem_size_0:
called_computation.1_lowered:
.L_overlay_start_0:
0x88: {  	s2 =	sld [smem:$0x3FD9]  }
0x89: {  	s3 =	sld [smem:$0x3FFE];
	_ =	sdelay $0x1  }
0x8a: {  	s1 =	srdreg.scid  }
0x8b: {  	s0 =	sand.u32 $0x1, s1  }
0x8c: {  	s17 =	sshll.u32 s0, $0xA;
	s2 =	sadd.s32 s3, s2  }
0x8d: {  	s2 =	sadd.s32 s2, s17  }
0x8e: {  	[smem:$0x3FBF] =	sst s2  }
0x8f: {  	_ = 	snop  }
0x90: {  	s2 =	sld [smem:$0x3FD0];
	(tm) =	ssettm $0x1  }
0x91: {  	s18 =	sld [smem:$0x3FFB];
	_ =	sdelay $0x3  }
0x92: {  	_ =	strace s18  }
0x93: {  	s3 =	sld [smem:$0x3FFC];
	_ =	sdelay $0x3  }
0x94: {  	_ =	strace s3  }
0x95: {  	s3 =	sld [smem:$0x3FFD];
	_ =	sdelay $0x3  }
0x96: {  	_ =	strace s3  }
0x97: {  	_ =	strace $0x8FFFFFFF  }
0x98: {  	s19 =	sld [smem:$0x3FDB];
	_ =	sdelay $0x1  }
0x99: {  	s4 =	simm.s32 $_scs_section_size  }
0x9a: {  	s5 =	simm.s32 $_size__tile_overlayer_lowered;
	s6 =	simm.s32 $_tile_overlayer_lowered  }
0x9b: {  	s22 =	simm.s32 $0x1BFF;
	s21 =	sshll.u32 s6, $0x1;
	s3 =	sadd.s32 s4, s19  }
0x9c: {  	s7 =	simm.s32 $0x0;
	s20 =	sshll.u32 s5, $0x1;
	s5 =	sadd.s32 s21, s3  }
0x9d: {  	[timem:s7], [sflag:s22] =	dma.local [hbm:s5], s20  }
0x9e: {  	_ =	swait.ge [sflag:s22], s20  }
0x9f: {  	s4 =	ssub.s32 $0x0, s20;
	[sflag:s22] =	ssyncset.done $0x0  }
0xa0: {  	[sflag:s22] =	ssyncadd.s32 s4;
	_ =	sdelay $0x1  }
0xa1: {  	s23 =	simm.s32 $0x1B8B  }
0xa2: {  	_ =	swait.ge [sflag:s23], $0x1  }
0xa3: {  	[sflag:s23] =	ssyncset.done $0x0  }
0xa4: {  	s25 =	simm.s32 $0x1B8E;
	s24 =	sld [smem:$0x3FFE];
	[sflag:s23] =	ssyncadd.s32 $0xFFFFFFFF  }
0xa5: {  	s26 =	simm.s32 $execute0_lowered;
	[smem:$0x3FD2] =	sst s25  }
0xa6: {  	s5 =	sshll.u32 s26, $0x1;
	_ =	strace $0x80000049;
	[dreg:$0x1] =	wrdreg $0xFFFFFFFF  }
0xa7: {  	s28 =	simm.s32 $_size_execute0_lowered;
	s3 =	sadd.s32 s3, s5;
	[dreg:$0x0] =	wrdreg $0x0  }
0xa8: {  	s5 =	sshll.u32 s28, $0x1;
	[dreg:$0x2] =	wrdreg s3  }
0xa9: {  	[dreg:$0x3] =	wrdreg s5  }
0xaa: {  	[dreg:$0x4] =	wrdreg $0xC0  }
0xab: {  	_ =	task [dreg:s7], $0x5FFFF  }
0xac: {  	[dreg:$0x1] =	wrdreg $0xFFFFFFFF  }
0xad: {  	[dreg:$0x0] =	wrdreg $0x60  }
0xae: {  	[dreg:$0x2] =	wrdreg s24  }
0xaf: {  	[dreg:$0x3] =	wrdreg s2  }
0xb0: {  	[dreg:$0x4] =	wrdreg $0x2D500  }
0xb1: {  	[dreg:$0x5] =	wrdreg $0x16D500  }
0xb2: {  	[dreg:$0x6] =	wrdreg $0x9  }
0xb3: {  	_ =	task.clear_ibuf [dreg:s7], $0x7FFFF;
	_ =	strace $0x90000049  }
0xb4: {  	s29 =	simm.s32 $0x9;
	_ =	strace $0x8000004B  }
0xb5: {  	_ =	swait.ge [sflag:s29], $0x1  }
0xb6: {  	[sflag:s29] =	ssyncadd.s32 $0xFFFFFFFF  }
0xb7: {  	_ =	strace $0x9000004B  }
0xb8: {  	_ =	sfence  }
0xb9: {  	s30 =	sld [smem:$0x0];
	_ =	sdelay $0x2  }
0xba: {  	s31 =	sshll.u32 s1, $0xD;
	s1 =	sshrl.u32 s1, $0x2  }
0xbb: {  	s3 =	sand.u32 $0x4000, s31;
	s1 =	sadd.s32 s1, s30  }
0xbc: {  	s0 =	sor.u32 s3, s0;
	s1 =	sshll.u32 s1, $0x11  }
0xbd: {  	s0 =	sor.u32 s1, s0  }
0xbe: {  	s0 =	sadd.s32 $0x8F2B, s0  }
0xbf: {  	[sflag:s0] =	ssyncadd.remote.s32 $0x1  }
0xc0: {  	_ =	sfence.sel $0xFFFF  }
0xc1: {  	[dreg:$0x0] =	wrdreg $0xFFFFFFFF;
	(pc) =	sbr.abs _section_cstart, $3  }
0xc2: {  	[dreg:$0x1] =	wrdreg $0xFFFFFFFF  }
0xc3: {  	_ =	task.clear_ibuf [dreg:s7], $0x2FFFF;
	_ =	strace $0x9FFFFFFF  }
0xc4: {  	(tm) =	ssettm $0x7FFFFFFF  }
0xc5: {  	_ =	shalt  }
tec
execute0_lowered:
.L_overlay_start_1:
0x0: {  	(tag) =	ssettag $0x1  }
0x1: {  	s8 =	rddreg [dreg:$0x0]  }
0x2: {  	s13 =	rddreg [dreg:$0x1]  }
0x3: {  	s2 =	rddreg [dreg:$0x2]  }
0x4: {  	s3 =	rddreg [dreg:$0x3]  }
0x5: {  	s1 =	stileid.u32;
	s0 =	rddreg [dreg:$0x4]  }
0x6: {  	s4 =	simm.s32 $0x0;
	s7 =	srdreg.scid;
	s5 =	smul.u32 $0x4E200, s1  }
0x7: {  	[smem:$0x7FF] =	sst s4;
	s6 =	sadd.s32 $0x4E00, s8;
	s10 =	sand.u32 $0x1, s7  }
0x8: {  	s7 =	sadd.s32 $0x38400, s8;
	s9 =	sadd.s32 $0xF400, s8;
	s16 =	smul.u32 $0x14000, s1  }
0x9: {  	s14 =	sadd.s32 $0x51A600, s8;
	s17 =	sadd.s32 $0xA400, s8;
	s19 =	smul.u32 $0x2800, s1  }
0xa: {  	s18 =	sadd.s32 $0x5400, s8;
	s25 =	sshll.u32 s1, $0x6;
	s20 =	smul.u32 $0x4E20, s1  }
0xb: {  	_ =	strace $0x8000004A;
	s12 =	ssub.s32 $0x2, s10;
	s26 =	smul.u32 $0x2710, s10  }
0xc: {  	p0 =	seq.s32 s10, $0x1;
	s21 =	smul.u32 $0x27100, s10;
	s11 =	sadd.s32 s5, s8  }
0xd: {  	s5 =	sadd.s32 $0x2600, s8;
	s15 =	sshrl.u32 s12, $0x1;
	s24 =	sadd.s32 s16, s2  }
0xe: {  	s8 =	sor.u32 $0x1C01, s25;
	s16 =	sshrl.u32 s16, $0x3;
	s9 =	smov.u32 @p0 s14  }
0xf: {  	s28 =	sadd.s32 s19, s3;
	s19 =	sshrl.u32 s19, $0x3;
	s17 =	smov.u32 @p0 s18  }
0x10: {  	s18 =	simm.s32 $0x50;
	s12 =	ssub.s32 s12, s15;
	s9 =	sadd.s32 s9, s16  }
0x11: {  	s29 =	sadd.s32 s26, s20;
	s30 =	sadd.s32 s21, s11;
	s11 =	sadd.s32 s17, s19  }
0x12: {  	s14 =	sshrl.u32 s24, $0x3;
	s15 =	simm.s32 $0x1;
	s16 =	sshrl.u32 s28, $0x3  }
0x13: {  	s17 =	simm.s32 $0x2850;
	s19 =	simm.s32 $0x0;
	s31 =	sshrl.u32 s29, $0x3  }
0x14: {  	s10 =	smax.u32 s12, $0x1;
	s12 =	sadd.s32 $0x38600, s30;
	s13 =	sadd.s32 s31, s13  }
.LBB2_1:
0x15: {  	[spmem:s14], [sflag:s8] =	dma.local [hbm:s5], $0x2800  }
0x16: {  	_ =	swait.ge [sflag:s15], $0x2800  }
0x17: {  	[sflag:s15] =	ssyncset.done $0x0  }
0x18: {  	[sflag:s15] =	ssyncadd.s32 $0xFFFFD800  }
0x19: {  	[spmem:s16], [sflag:s8] =	dma.local [hbm:s6], $0x500  }
0x1a: {  	_ =	swait.ge [sflag:s15], $0x500  }
0x1b: {  	[sflag:s15] =	ssyncset.done $0x0  }
0x1c: {  	[sflag:s15] =	ssyncadd.s32 $0xFFFFFB00  }
0x1d: {  	[tilespmem:s17], [sflag:$0x1] =	stream.linear.gather [hbm4b:s7+s4], $0x500, $0x38;
	[tilespmem:$0x19550] =	vst v63  }
0x1e: {  	_ =	swait.ge [sflag:s15], $0x500  }
0x1f: {  	[sflag:s15] =	ssyncset.done $0x0  }
0x20: {  	[sflag:s15] =	ssyncadd.s32 $0xFFFFFB00  }
0x21: {  	s20 =	sadd.s32 $0x0, s13;
	[bflag:$0x0] =	sbarrier.arrive $0xFFFF  }
0x22: {  	[tilespmem:s4], [sflag:$0x1] =	stream.linear.gather [hbm4b:s20+s4], $0x50, $0x38;
	[tilespmem:$0x19550] =	vst v63  }
0x23: {  	_ =	swait.ge [sflag:s15], $0x50  }
0x24: {  	[sflag:s15] =	ssyncset.done $0x0  }
0x25: {  	[sflag:s15] =	ssyncadd.s32 $0xFFFFFFB0  }
0x26: {  	[tilespmem:s18], [sflag:$0x1] =	stream.linear.gather [hbm4b:s12+s4], $0x2800, $0x38;
	[tilespmem:$0x19550] =	vst v63  }
0x27: {  	_ =	swait.ge [sflag:s15], $0x2800  }
0x28: {  	[sflag:s15] =	ssyncset.done $0x0  }
0x29: {  	[sflag:s15] =	ssyncadd.s32 $0xFFFFD800  }
0x2a: {  	[spmem:s2] =	stream.indirect.scatter.add.f32 [tilespmem:s18], [sflag:$0x1], $0x80, s4, s18, $0xb8;
	[tilespmem:$0x19550] =	vst v63  }
0x2b: {  	_ =	swait.ge [sflag:s15], $0x2800  }
0x2c: {  	[sflag:s15] =	ssyncset.done $0x0  }
0x2d: {  	[sflag:s15] =	ssyncadd.s32 $0xFFFFD800  }
0x2e: {  	[spmem:s3] =	stream.indirect.scatter.add.f32 [tilespmem:s17], [sflag:$0x1], $0x10, s4, s18, $0xb8;
	[tilespmem:$0x19550] =	vst v63  }
0x2f: {  	s21 =	simm.s32 $0xA;
	_ =	swait.ge [sflag:s15], $0x500  }
0x30: {  	s22 =	simm.s32 $0x14;
	s20 =	sadd.s32 $0x500, s12;
	[sflag:s15] =	ssyncset.done $0x0  }
.LBB2_2:
0x31: {  	s23 =	sadd.s32 s21, s13  }
0x32: {  	[sflag:s15] =	ssyncadd.s32 $0xFFFFFB00;
	s21 =	smov.u32 s22;
	s24 =	sadd.s32 $0xA, s22  }
0x33: {  	[tilespmem:s4], [sflag:$0x1] =	stream.linear.gather [hbm4b:s23+s4], $0x50, $0x38;
	[tilespmem:$0x19550] =	vst v63  }
0x34: {  	p0 =	sne.s32 s22, $0x4D8;
	_ =	swait.ge [sflag:s15], $0x50  }
0x35: {  	[sflag:s15] =	ssyncset.done $0x0  }
0x36: {  	[sflag:s15] =	ssyncadd.s32 $0xFFFFFFB0  }
0x37: {  	[tilespmem:s18], [sflag:$0x1] =	stream.linear.gather [hbm4b:s20+s4], $0x2800, $0x38;
	[tilespmem:$0x19550] =	vst v63  }
0x38: {  	_ =	swait.ge [sflag:s15], $0x2800  }
0x39: {  	[sflag:s15] =	ssyncset.done $0x0  }
0x3a: {  	[sflag:s15] =	ssyncadd.s32 $0xFFFFD800  }
0x3b: {  	[spmem:s2] =	stream.indirect.scatter.add.f32 [tilespmem:s18], [sflag:$0x1], $0x80, s4, s18, $0xb8;
	[tilespmem:$0x19550] =	vst v63  }
0x3c: {  	_ =	swait.ge [sflag:s15], $0x2800  }
.Ltmp0:
0x3d: {  	[sflag:s15] =	ssyncset.done $0x0;
	(pc) =	sbr.rel @p0 .LBB2_2-.Ltmp0, $4  }
0x3e: {  	[sflag:s15] =	ssyncadd.s32 $0xFFFFD800  }
0x3f: {  	[spmem:s3] =	stream.indirect.scatter.add.f32 [tilespmem:s17], [sflag:$0x1], $0x10, s4, s18, $0xb8;
	[tilespmem:$0x19550] =	vst v63  }
0x40: {  	_ =	swait.ge [sflag:s15], $0x500  }
0x41: {  	s22 =	smov.u32 s24;
	s20 =	sadd.s32 $0x500, s20;
	[sflag:s15] =	ssyncset.done $0x0  }
0x42: {  	s21 =	sadd.s32 s21, s13;
	[sflag:s15] =	ssyncadd.s32 $0xFFFFFB00  }
0x43: {  	[tilespmem:s4], [sflag:$0x1] =	stream.linear.gather [hbm4b:s21+s4], $0x50, $0x38;
	[tilespmem:$0x19550] =	vst v63  }
0x44: {  	_ =	swait.ge [sflag:s15], $0x50  }
0x45: {  	[sflag:s15] =	ssyncset.done $0x0  }
0x46: {  	[sflag:s15] =	ssyncadd.s32 $0xFFFFFFB0  }
0x47: {  	[tilespmem:s18], [sflag:$0x1] =	stream.linear.gather [hbm4b:s20+s4], $0x2800, $0x38;
	[tilespmem:$0x19550] =	vst v63  }
0x48: {  	_ =	swait.ge [sflag:s15], $0x2800  }
0x49: {  	[sflag:s15] =	ssyncset.done $0x0  }
0x4a: {  	[sflag:s15] =	ssyncadd.s32 $0xFFFFD800  }
0x4b: {  	[spmem:s2] =	stream.indirect.scatter.add.f32 [tilespmem:s18], [sflag:$0x1], $0x80, s4, s18, $0xb8;
	[tilespmem:$0x19550] =	vst v63  }
0x4c: {  	_ =	swait.ge [sflag:s15], $0x2800  }
0x4d: {  	[sflag:s15] =	ssyncset.done $0x0  }
0x4e: {  	[sflag:s15] =	ssyncadd.s32 $0xFFFFD800  }
0x4f: {  	[spmem:s3] =	stream.indirect.scatter.add.f32 [tilespmem:s17], [sflag:$0x1], $0x10, s4, s18, $0xb8;
	[tilespmem:$0x19550] =	vst v63  }
0x50: {  	_ =	swait.ge [sflag:s15], $0x500  }
0x51: {  	[sflag:s15] =	ssyncset.done $0x0  }
0x52: {  	[sflag:s15] =	ssyncadd.s32 $0xFFFFFB00  }
0x53: {  	[bflag:$0x0] =	sbarrier.arrive $0xFFFF  }
0x54: {  	[hbm:s9], [sflag:s8] =	dma.local [spmem:s14], $0x2800  }
0x55: {  	s19 =	sadd.s32 $0x1, s19;
	_ =	swait.ge [sflag:s15], $0x2800  }
0x56: {  	p0 =	sne.s32 s19, s10;
	[sflag:s15] =	ssyncset.done $0x0  }
.Ltmp1:
0x57: {  	[sflag:s15] =	ssyncadd.s32 $0xFFFFD800;
	(pc) =	sbr.rel @p0 .LBB2_1-.Ltmp1, $4  }
0x58: {  	[hbm:s11], [sflag:s8] =	dma.local [spmem:s16], $0x500  }
0x59: {  	_ =	swait.ge [sflag:s15], $0x500  }
0x5a: {  	[sflag:s15] =	ssyncset.done $0x0  }
0x5b: {  	[sflag:s15] =	ssyncadd.s32 $0xFFFFFB00  }
0x5c: {  	_ =	sfence.sel $0x180000  }
0x5d: {  	[bflag:$0x0] =	sbarrier.arrive $0xFFFF  }
0x5e: {  	p0 =	sne.s32 s1, $0x0;
	_ =	strace $0x9000004A  }
0x5f: {  	s0 =	sadd.s32 @!p0 $0x100000, s0;
	[bflag:$0x2] =	sbarrier.arrive $0xFFFF  }
0x60: {  	[sflag:s0] =	ssyncadd.tile.s32 @!p0 $0x1;
	_ =	shalt  }
.Lfunc_end2:
_tile_overlayer_lowered:
.L_overlay_start_2:
0x61: {  	(tag) =	ssettag $0x2  }
0x62: {  	s0 =	rddreg [dreg:$0x0];
	s2 =	stileid.u32  }
0x63: {  	s1 =	rddreg [dreg:$0x1];
	p0 =	sne.s32 s2, $0x0  }
0x64: {  	s3 =	rddreg [dreg:$0x2];
	[bflag:$0x3] =	sbarrier.arrive $0xFFFF;
	s2 =	simm.s32 @!p0 $0x1C01  }
0x65: {  	[timem:s3], [sflag:s2] =	dma.local @!p0 [hbm:s0], s1  }
0x66: {  	s0 =	simm.s32 @!p0 $0x1  }
0x67: {  	_ =	swait.ge @!p0 [sflag:s0], s1  }
0x68: {  	s1 =	ssub.s32 @!p0 $0x0, s1;
	[sflag:s0] =	ssyncset.done @!p0 $0x0  }
0x69: {  	[sflag:s0] =	ssyncadd.s32 @!p0 s1  }
0x6a: {  	[bflag:$0x3] =	sbarrier.arrive $0xFFFF  }
0x6b: {  	_ =	shalt  }

// kernel: kernel.7.cloned.1.call-start
scs
__scs_entry_jumppad:
0x0: {  	(pc) =	sbr.rel $0x88, $3  }
0x1: {  	(tag) =	ssettag $0x0;
	lr =	simm.s32 $0x1  }
0x2: {  	[smem:$0x3F98] =	sst lr;
	_ =	strace $0xD0000000  }
0x3: {  	_ = 	snop  }
0x4: {  	_ = 	snop  }
0x5: {  	_ = 	snop  }
0x6: {  	_ = 	snop  }
0x7: {  	_ = 	snop  }
__scs_overlays_trampoline_lowered:
0x8: {  	[smem:$0x3FA7] =	sst s0  }
0x9: {  	[smem:$0x3FA8] =	sst s1  }
0xa: {  	[smem:$0x3FA9] =	sst s2  }
0xb: {  	[smem:$0x3FAA] =	sst s3  }
0xc: {  	[smem:$0x3FAB] =	sst s4  }
0xd: {  	[smem:$0x3FAC] =	sst s5  }
0xe: {  	[smem:$0x3FAD] =	sst s6  }
0xf: {  	[smem:$0x3FAE] =	sst s7  }
0x10: {  	[smem:$0x3FAF] =	sst s8  }
0x11: {  	[smem:$0x3FB0] =	sst s9;
	s0 =	simm.s32 @!p0 $0x0  }
0x12: {  	s1 =	sld [smem:$0x3F96];
	s0 =	simm.s32 @p0 $0x1  }
0x13: {  	[smem:$0x3FB1] =	sst s0;
	s0 =	simm.s32 @!p1 $0x0  }
0x14: {  	s2 =	sld [smem:$0x3F95];
	s0 =	simm.s32 @p1 $0x1  }
0x15: {  	[smem:$0x3FB2] =	sst s0;
	s0 =	simm.s32 @!p2 $0x0  }
0x16: {  	s3 =	sld [smem:$0x3FDB];
	s0 =	simm.s32 @p2 $0x1  }
0x17: {  	s4 =	simm.s32 $0x1BF5;
	[smem:$0x3FB4] =	sst s0  }
0x18: {  	s0 =	sld [smem:$0x3F97];
	_ =	swait.ge [sflag:s4], $0x0  }
0x19: {  	s7 =	sld [smem:$0x3F98]  }
0x1a: {  	s8 =	sadd.s32 $0xFFFFE003, lr  }
0x1b: {  	s9 =	sadd.s32 $0xFFFFFEF7, lr;
	s5 =	simm.s32 $0xFFFFFFFF;
	p2 =	slt.u32 s8, $0xFFFFF086  }
0x1c: {  	p1 =	slt.u32 s9, $0xF7A;
	s5 =	simm.s32 @!p2 $0x0  }
0x1d: {  	s5 =	simm.s32 @p1 $0x1;
	p0 =	seq.s32 s7, s2  }
0x1e: {  	s7 =	smul.u32 @!p0 $0xF7A, s2;
	p2 =	seq.s32 @!p0 s5, $0x0  }
0x1f: {  	s9 =	smul.u32 $0xF7A, s1;
	s8 =	simm.s32 @!p0 $0x1BF5;
	p2 =	por !p2, p0  }
0x20: {  	[sflag:s8] =	ssyncset.s32 @!p0 $0xFFFFF086;
	s6 =	sadd.s32 @!p0 s3, s7;
	s7 =	simm.s32 @!p0 $0x108  }
0x21: {  	s3 =	sadd.s32 s3, s9;
	s6 =	sadd.s32 @!p0 $0x88, s6;
	s7 =	simm.s32 @p2 $0x1082  }
0x22: {  	[simem:s7], [sflag:s8] =	dma.local @!p0 [hbm:s6], $0xF7A  }
0x23: {  	s9 =	sor.u32 $0xD0000000, s2;
	s6 =	simm.s32 $0x108;
	_ =	swait.ge @!p0 [sflag:s8], $0x0  }
0x24: {  	s3 =	sadd.s32 $0x88, s3;
	s6 =	simm.s32 @!p1 $0x1082;
	[sflag:s4] =	ssyncset.s32 $0xFFFFF086  }
0x25: {  	[simem:s6], [sflag:s4] =	dma.local [hbm:s3], $0xF7A  }
0x26: {  	[smem:$0x3F98] =	sst s1;
	(tag) =	ssettag s2;
	_ =	strace s9  }
0x27: {  	s1 =	sld [smem:$0x3FA8]  }
0x28: {  	s2 =	sld [smem:$0x3FA9]  }
0x29: {  	s4 =	sld [smem:$0x3FAB]  }
0x2a: {  	p0 =	seq.s32 s5, $0x0;
	s5 =	sld [smem:$0x3FAC]  }
0x2b: {  	s6 =	sld [smem:$0x3FAD]  }
0x2c: {  	s7 =	sld [smem:$0x3FAE]  }
0x2d: {  	s3 =	simm.s32 $0x108;
	s8 =	sld [smem:$0x3FAF]  }
0x2e: {  	s3 =	simm.s32 @!p0 $0x1082;
	s9 =	sld [smem:$0x3FB0]  }
0x2f: {  	lr =	sadd.s32 s0, s3;
	s0 =	sld [smem:$0x3FA7]  }
0x30: {  	s3 =	sld [smem:$0x3FAA]  }
0x31: {  	[smem:$0x3FB3] =	sst s10  }
0x32: {  	s10 =	sld [smem:$0x3FB1];
	_ =	sdelay $0x3  }
0x33: {  	p0 =	seq.s32 s10, $0x1;
	s10 =	sld [smem:$0x3FB3];
	_ =	sdelay $0x3  }
0x34: {  	[smem:$0x3FB3] =	sst s10  }
0x35: {  	s10 =	sld [smem:$0x3FB2];
	_ =	sdelay $0x3  }
0x36: {  	p1 =	seq.s32 s10, $0x1;
	s10 =	sld [smem:$0x3FB3];
	_ =	sdelay $0x3  }
0x37: {  	[smem:$0x3FB3] =	sst s10  }
0x38: {  	s10 =	sld [smem:$0x3FB4]  }
0x39: {  	_ = 	snop;
	(pc) =	sbr.ind lr, $3  }
0x3a: {  	_ = 	snop  }
0x3b: {  	_ = 	snop  }
0x3c: {  	p2 =	seq.s32 s10, $0x1;
	s10 =	sld [smem:$0x3FB3]  }
0x3d: {  	_ =	shalt  }
0x3e: {  	_ =	shalt  }
0x3f: {  	_ =	shalt  }
0x40: {  	_ =	shalt  }
0x41: {  	_ =	shalt  }
0x42: {  	_ =	shalt  }
0x43: {  	_ =	shalt  }
0x44: {  	_ =	shalt  }
0x45: {  	_ =	shalt  }
0x46: {  	_ =	shalt  }
0x47: {  	_ =	shalt  }
0x48: {  	_ =	shalt  }
0x49: {  	_ =	shalt  }
0x4a: {  	_ =	shalt  }
0x4b: {  	_ =	shalt  }
0x4c: {  	_ =	shalt  }
0x4d: {  	_ =	shalt  }
0x4e: {  	_ =	shalt  }
0x4f: {  	_ =	shalt  }
0x50: {  	_ =	shalt  }
0x51: {  	_ =	shalt  }
0x52: {  	_ =	shalt  }
0x53: {  	_ =	shalt  }
0x54: {  	_ =	shalt  }
0x55: {  	_ =	shalt  }
0x56: {  	_ =	shalt  }
0x57: {  	_ =	shalt  }
0x58: {  	_ =	shalt  }
0x59: {  	_ =	shalt  }
0x5a: {  	_ =	shalt  }
0x5b: {  	_ =	shalt  }
0x5c: {  	_ =	shalt  }
0x5d: {  	_ =	shalt  }
0x5e: {  	_ =	shalt  }
0x5f: {  	_ =	shalt  }
0x60: {  	_ =	shalt  }
0x61: {  	_ =	shalt  }
0x62: {  	_ =	shalt  }
0x63: {  	_ =	shalt  }
0x64: {  	_ =	shalt  }
0x65: {  	_ =	shalt  }
0x66: {  	_ =	shalt  }
0x67: {  	_ =	shalt  }
0x68: {  	_ =	shalt  }
0x69: {  	_ =	shalt  }
0x6a: {  	_ =	shalt  }
0x6b: {  	_ =	shalt  }
0x6c: {  	_ =	shalt  }
0x6d: {  	_ =	shalt  }
0x6e: {  	_ =	shalt  }
0x6f: {  	_ =	shalt  }
0x70: {  	_ =	shalt  }
0x71: {  	_ =	shalt  }
0x72: {  	_ =	shalt  }
0x73: {  	_ =	shalt  }
0x74: {  	_ =	shalt  }
0x75: {  	_ =	shalt  }
0x76: {  	_ =	shalt  }
0x77: {  	_ =	shalt  }
0x78: {  	_ =	shalt  }
0x79: {  	_ =	shalt  }
0x7a: {  	_ =	shalt  }
0x7b: {  	_ =	shalt  }
0x7c: {  	_ =	shalt  }
0x7d: {  	_ =	shalt  }
0x7e: {  	_ =	shalt  }
0x7f: {  	_ =	shalt  }
0x80: {  	_ =	shalt  }
0x81: {  	_ =	shalt  }
0x82: {  	_ =	shalt  }
0x83: {  	_ =	shalt  }
0x84: {  	_ =	shalt  }
0x85: {  	_ =	shalt  }
0x86: {  	_ =	shalt  }
0x87: {  	_ =	shalt  }
.Lfunc_end0:
.L_simem_size_0:
called_computation_lowered:
.L_overlay_start_0:
0x88: {  	s2 =	sld [smem:$0x3FD9]  }
0x89: {  	s3 =	sld [smem:$0x3FFE];
	_ =	sdelay $0x1  }
0x8a: {  	s1 =	srdreg.scid  }
0x8b: {  	s0 =	sand.u32 $0x1, s1  }
0x8c: {  	s17 =	sshll.u32 s0, $0xA;
	s2 =	sadd.s32 s3, s2  }
0x8d: {  	s2 =	sadd.s32 s2, s17  }
0x8e: {  	[smem:$0x3FBF] =	sst s2  }
0x8f: {  	_ = 	snop  }
0x90: {  	s2 =	sld [smem:$0x3FD0];
	(tm) =	ssettm $0x1  }
0x91: {  	s18 =	sld [smem:$0x3FFB];
	_ =	sdelay $0x3  }
0x92: {  	_ =	strace s18  }
0x93: {  	s3 =	sld [smem:$0x3FFC];
	_ =	sdelay $0x3  }
0x94: {  	_ =	strace s3  }
0x95: {  	s3 =	sld [smem:$0x3FFD];
	_ =	sdelay $0x3  }
0x96: {  	_ =	strace s3  }
0x97: {  	_ =	strace $0x8FFFFFFF  }
0x98: {  	s19 =	sld [smem:$0x3FDB];
	_ =	sdelay $0x1  }
0x99: {  	s4 =	simm.s32 $_scs_section_size  }
0x9a: {  	s5 =	simm.s32 $_size__tile_overlayer_lowered;
	s6 =	simm.s32 $_tile_overlayer_lowered  }
0x9b: {  	s22 =	simm.s32 $0x1BFF;
	s21 =	sshll.u32 s6, $0x1;
	s3 =	sadd.s32 s4, s19  }
0x9c: {  	s7 =	simm.s32 $0x0;
	s20 =	sshll.u32 s5, $0x1;
	s5 =	sadd.s32 s21, s3  }
0x9d: {  	[timem:s7], [sflag:s22] =	dma.local [hbm:s5], s20  }
0x9e: {  	_ =	swait.ge [sflag:s22], s20  }
0x9f: {  	s4 =	ssub.s32 $0x0, s20;
	[sflag:s22] =	ssyncset.done $0x0  }
0xa0: {  	[sflag:s22] =	ssyncadd.s32 s4;
	_ =	sdelay $0x1  }
0xa1: {  	s23 =	simm.s32 $0x1B8B  }
0xa2: {  	_ =	swait.ge [sflag:s23], $0x1  }
0xa3: {  	[sflag:s23] =	ssyncset.done $0x0  }
0xa4: {  	s25 =	simm.s32 $0x1B8E;
	s24 =	sld [smem:$0x3FFE];
	[sflag:s23] =	ssyncadd.s32 $0xFFFFFFFF  }
0xa5: {  	s26 =	simm.s32 $execute0_lowered;
	[smem:$0x3FD2] =	sst s25  }
0xa6: {  	s5 =	sshll.u32 s26, $0x1;
	_ =	strace $0x80000046;
	[dreg:$0x1] =	wrdreg $0xFFFFFFFF  }
0xa7: {  	s28 =	simm.s32 $_size_execute0_lowered;
	s3 =	sadd.s32 s3, s5;
	[dreg:$0x0] =	wrdreg $0x0  }
0xa8: {  	s5 =	sshll.u32 s28, $0x1;
	[dreg:$0x2] =	wrdreg s3  }
0xa9: {  	[dreg:$0x3] =	wrdreg s5  }
0xaa: {  	[dreg:$0x4] =	wrdreg $0xC0  }
0xab: {  	_ =	task [dreg:s7], $0x5FFFF  }
0xac: {  	[dreg:$0x1] =	wrdreg $0xFFFFFFFF  }
0xad: {  	[dreg:$0x0] =	wrdreg $0x60  }
0xae: {  	[dreg:$0x2] =	wrdreg s24  }
0xaf: {  	[dreg:$0x3] =	wrdreg s2  }
0xb0: {  	[dreg:$0x4] =	wrdreg $0x9  }
0xb1: {  	_ =	task.clear_ibuf [dreg:s7], $0x5FFFF;
	_ =	strace $0x90000046  }
0xb2: {  	s29 =	simm.s32 $0x9;
	_ =	strace $0x80000048  }
0xb3: {  	_ =	swait.ge [sflag:s29], $0x1  }
0xb4: {  	[sflag:s29] =	ssyncadd.s32 $0xFFFFFFFF  }
0xb5: {  	_ =	strace $0x90000048  }
0xb6: {  	_ =	sfence  }
0xb7: {  	s30 =	sld [smem:$0x0];
	_ =	sdelay $0x2  }
0xb8: {  	s31 =	sshll.u32 s1, $0xD;
	s1 =	sshrl.u32 s1, $0x2  }
0xb9: {  	s3 =	sand.u32 $0x4000, s31;
	s1 =	sadd.s32 s1, s30  }
0xba: {  	s0 =	sor.u32 s3, s0;
	s1 =	sshll.u32 s1, $0x11  }
0xbb: {  	s0 =	sor.u32 s1, s0  }
0xbc: {  	s0 =	sadd.s32 $0x8F2B, s0  }
0xbd: {  	[sflag:s0] =	ssyncadd.remote.s32 $0x1  }
0xbe: {  	_ =	sfence.sel $0xFFFF  }
0xbf: {  	[dreg:$0x0] =	wrdreg $0xFFFFFFFF;
	(pc) =	sbr.abs _section_cstart, $3  }
0xc0: {  	[dreg:$0x1] =	wrdreg $0xFFFFFFFF  }
0xc1: {  	_ =	task.clear_ibuf [dreg:s7], $0x2FFFF;
	_ =	strace $0x9FFFFFFF  }
0xc2: {  	(tm) =	ssettm $0x7FFFFFFF  }
0xc3: {  	_ =	shalt  }
tec
execute0_lowered:
.L_overlay_start_1:
0x0: {  	(tag) =	ssettag $0x1  }
0x1: {  	s7 =	rddreg [dreg:$0x0]  }
0x2: {  	s1 =	rddreg [dreg:$0x1]  }
0x3: {  	s0 =	rddreg [dreg:$0x2];
	s2 =	simm.s32 $0x0  }
0x4: {  	s5 =	srdreg.scid;
	s3 =	stileid.u32;
	s12 =	simm.s32 $0xA0  }
0x5: {  	s13 =	simm.s32 $0x2DA0;
	s14 =	simm.s32 $0x1;
	s15 =	simm.s32 $0x2  }
0x6: {  	s16 =	simm.s32 $0x5AA0;
	s17 =	simm.s32 $0x0;
	[smem:$0x7FF] =	sst s2  }
0x7: {  	s4 =	sadd.s32 $0x2600, s7;
	s8 =	sand.u32 $0x1, s5;
	s5 =	sadd.s32 $0x50800, s7  }
0x8: {  	s10 =	sshll.u32 s3, $0x1;
	s6 =	sadd.s32 $0x2E600, s7;
	s9 =	ssub.s32 $0x2, s8  }
0x9: {  	s7 =	sadd.s32 $0x7C800, s7;
	_ =	strace $0x80000047;
	s11 =	sshrl.u32 s9, $0x1  }
0xa: {  	s8 =	sor.u32 s8, s10;
	s10 =	simm.s32 $0x3;
	s9 =	ssub.s32 s9, s11  }
0xb: {  	s8 =	smul.u32 $0x2710, s8;
	s11 =	simm.s32 $0x50;
	s9 =	smax.u32 s9, $0x1  }
.LBB2_1:
0xc: {  	s18 =	simm.s32 $0x0  }
.LBB2_2:
0xd: {  	s19 =	smul.u32 $0x50, s18;
	_ =	sdelay $0x1  }
0xe: {  	s19 =	sadd.s32 s8, s19  }
0xf: {  	s20 =	sshrl.u32 s19, $0x3  }
0x10: {  	s22 =	simm.s32 $0x0;
	s21 =	sadd.s32 s6, s20  }
0x11: {  	[tilespmem:s22], [sflag:$0x3] =	stream.linear.gather [hbm4b:s21+s22], $0x50, $0x38;
	[tilespmem:$0x87A0] =	vst v63  }
0x12: {  	_ =	swait.ge [sflag:s10], $0x50  }
0x13: {  	[sflag:s10] =	ssyncset.done $0x0  }
0x14: {  	s20 =	sadd.s32 s1, s20;
	[sflag:s10] =	ssyncadd.s32 $0xFFFFFFB0  }
0x15: {  	[tilespmem:s11], [sflag:$0x3] =	stream.linear.gather [hbm4b:s20+s22], $0x50, $0x38;
	[tilespmem:$0x87A0] =	vst v63  }
0x16: {  	_ =	swait.ge [sflag:s10], $0x50  }
0x17: {  	[sflag:s10] =	ssyncset.done $0x0  }
0x18: {  	[sflag:s10] =	ssyncadd.s32 $0xFFFFFFB0  }
0x19: {  	[tilespmem:s12], [sflag:$0x1] =	stream.indirect.gather [hbm4b:s4+s11], $0x90, s22, s11, $0xb8;
	[tilespmem:$0x87A0] =	vst v63  }
0x1a: {  	_ = 	snop  }
0x1b: {  	[tilespmem:s13], [sflag:$0x2] =	stream.indirect.gather [hbm4b:s5+s11], $0x90, s11, s11, $0xb8;
	[tilespmem:$0x87A0] =	vst v63  }
0x1c: {  	_ =	swait.ge [sflag:s14], $0x2D00  }
0x1d: {  	[sflag:s14] =	ssyncset.done $0x0  }
0x1e: {  	[sflag:s14] =	ssyncadd.s32 $0xFFFFD300  }
0x1f: {  	_ =	swait.ge [sflag:s15], $0x2D00  }
0x20: {  	[sflag:s15] =	ssyncset.done $0x0  }
0x21: {  	s20 =	simm.s32 $0x0;
	[sflag:s15] =	ssyncadd.s32 $0xFFFFD300  }
0x22: {  	v6 =	vld [tilespmem:s20+$0xC0]  }
0x23: {  	v7 =	vld [tilespmem:s20+$0x2DC0]  }
0x24: {  	v1 =	vld [tilespmem:s20+$0x120]  }
0x25: {  	v2 =	vld [tilespmem:s20+$0x2E20]  }
0x26: {  	v0 =	vld [tilespmem:s20+$0xA0]  }
0x27: {  	v3 =	vld [tilespmem:s20+$0x2DA0]  }
0x28: {  	v4 =	vld [tilespmem:s20+$0xB0];
	v6 =	vadd.f32 v7, v6  }
0x29: {  	v5 =	vld [tilespmem:s20+$0x2DB0]  }
0x2a: {  	[tilespmem:s20+$0x5AC0] =	vst v6;
	v6 =	vsub.f32 v1, v2;
	_ =	sdelay $0x1  }
0x2b: {  	v8 =	vld [tilespmem:s20+$0x2DD0];
	v0 =	vadd.f32 v3, v0;
	(v2sf) =	vpush v6, $0x0  }
0x2c: {  	v3 =	vld [tilespmem:s20+$0xD0];
	(v2sf) =	vpush v6, $0x1  }
0x2d: {  	[tilespmem:s20+$0x5AA0] =	vst v0;
	v0 =	vadd.f32 v5, v4;
	v4 =	vld [tilespmem:s20+$0xE0]  }
0x2e: {  	v5 =	vld [tilespmem:s20+$0x2DE0];
	(v2sf) =	vpush v6, $0x2  }
0x2f: {  	v9 =	vld [tilespmem:s20+$0xF0]  }
0x30: {  	v7 =	vld [tilespmem:s20+$0x2DF0]  }
0x31: {  	[tilespmem:s20+$0x5AB0] =	vst v0;
	v0 =	vld [tilespmem:s20+$0x100]  }
0x32: {  	v8 =	vadd.f32 v8, v3;
	v3 =	vld [tilespmem:s20+$0x2E00]  }
0x33: {  	v1 =	vld [tilespmem:s20+$0x110];
	v5 =	vadd.f32 v5, v4  }
0x34: {  	s21 =	simm.s32 $0x90;
	[tilespmem:s20+$0x5AD0] =	vst v8;
	v4 =	vld [tilespmem:s20+$0x2E10]  }
0x35: {  	v6 =	vadd.f32 v7, v9;
	v2 =	vld [tilespmem:s21+$0x120];
	[tilespmem:s20+$0x5AE0] =	vst v5  }
0x36: {  	s22 =	simm.s32 $0x480;
	v5 =	vld [tilespmem:s21+$0x2E20]  }
.LBB2_3:
0x37: {  	p0 =	sne.s32 s22, $0xB1C0;
	v7 =	vld [tilespmem:s21+$0xA0];
	[tilespmem:s20+$0x5AF0] =	vst v6;
	v0 =	vadd.f32 v3, v0  }
0x38: {  	v3 =	vld [tilespmem:s21+$0x2DA0]  }
0x39: {  	v6 =	vld [tilespmem:s21+$0xB0];
	[tilespmem:s20+$0x5B00] =	vst v0;
	v0 =	vadd.f32 v4, v1  }
0x3a: {  	v1 =	vld [tilespmem:s21+$0x2DB0];
	s23 =	spop (v2sf)  }
0x3b: {  	v4 =	vld [tilespmem:s21+$0xC0];
	v2 =	vsub.f32 v2, v5;
	[tilespmem:s20+$0x5B10] =	vst v0;
	s23 =	smul.f32 s23, s23;
	s24 =	spop (v2sf)  }
0x3c: {  	v0 =	vld [tilespmem:s21+$0x2DC0];
	s24 =	smul.f32 s24, s24  }
0x3d: {  	v3 =	vadd.f32 v3, v7;
	v5 =	vld [tilespmem:s21+$0xD0];
	(v2sf) =	vpush v2, $0x0;
	s25 =	spop (v2sf)  }
0x3e: {  	v7 =	vld [tilespmem:s21+$0x2DD0];
	(v2sf) =	vpush v2, $0x1;
	s23 =	sadd.f32 s24, s23;
	s24 =	smul.f32 s25, s25  }
0x3f: {  	[tilespmem:s21+$0x5AA0] =	vst v3;
	v1 =	vadd.f32 v1, v6;
	v6 =	vld [tilespmem:s21+$0xE0]  }
0x40: {  	v8 =	vld [tilespmem:s21+$0x2DE0];
	(v2sf) =	vpush v2, $0x2;
	s23 =	sadd.f32 s23, s24  }
0x41: {  	[tilespmem:s21+$0x5AB0] =	vst v1;
	v1 =	vadd.f32 v0, v4;
	v9 =	vld [tilespmem:s21+$0xF0]  }
0x42: {  	v10 =	vld [tilespmem:s21+$0x2DF0];
	v2 =	vmov s23  }
0x43: {  	v4 =	vadd.f32 v7, v5;
	v0 =	vld [tilespmem:s21+$0x100];
	[tilespmem:s20+$0x5B20] =	vst v2;
	s20 =	smov.u32 s21  }
.Ltmp0:
0x44: {  	[tilespmem:s20+$0x5AC0] =	vst v1;
	v3 =	vld [tilespmem:s20+$0x2E00];
	(pc) =	sbr.rel @p0 .LBB2_3-.Ltmp0, $4  }
0x45: {  	[tilespmem:s20+$0x5AD0] =	vst v4;
	v5 =	vadd.f32 v8, v6;
	v1 =	vld [tilespmem:s20+$0x110]  }
0x46: {  	s21 =	sshra.s32 s22, $0x2;
	v4 =	vld [tilespmem:s20+$0x2E10]  }
0x47: {  	v2 =	vld [tilespmem:s21+$0x120];
	[tilespmem:s20+$0x5AE0] =	vst v5;
	v6 =	vadd.f32 v10, v9  }
0x48: {  	s22 =	sadd.s32 $0x240, s22;
	v5 =	vld [tilespmem:s21+$0x2E20]  }
0x49: {  	_ =	sdelay $0x3  }
0x4a: {  	v2 =	vsub.f32 v2, v5;
	_ =	sdelay $0x1  }
0x4b: {  	(v2sf) =	vpush v2, $0x0  }
0x4c: {  	v7 =	vld [tilespmem:s21+$0xA0];
	[tilespmem:s20+$0x5AF0] =	vst v6;
	v0 =	vadd.f32 v3, v0;
	(v2sf) =	vpush v2, $0x1  }
0x4d: {  	v47 =	vld [tilespmem:s21+$0x2DA0];
	s22 =	spop (v2sf)  }
0x4e: {  	v6 =	vld [tilespmem:s21+$0xB0];
	[tilespmem:s20+$0x5B00] =	vst v0;
	v48 =	vadd.f32 v4, v1;
	s23 =	spop (v2sf);
	(v2sf) =	vpush v2, $0x2  }
0x4f: {  	v49 =	vld [tilespmem:s21+$0x2DB0]  }
0x50: {  	v50 =	vld [tilespmem:s21+$0xC0];
	[tilespmem:s20+$0x5B10] =	vst v48;
	s22 =	smul.f32 s22, s22  }
0x51: {  	v0 =	vld [tilespmem:s21+$0x2DC0];
	s23 =	smul.f32 s23, s23  }
0x52: {  	v51 =	vld [tilespmem:s21+$0xD0];
	s24 =	spop (v2sf)  }
0x53: {  	v52 =	vld [tilespmem:s21+$0x2DD0];
	s22 =	sadd.f32 s23, s22;
	s26 =	smul.f32 s24, s24  }
0x54: {  	v53 =	vld [tilespmem:s21+$0xE0];
	v3 =	vadd.f32 v47, v7  }
0x55: {  	v54 =	vld [tilespmem:s21+$0x2DE0];
	v1 =	vadd.f32 v49, v6;
	s22 =	sadd.f32 s22, s26  }
0x56: {  	v55 =	vld [tilespmem:s21+$0xF0];
	[tilespmem:s21+$0x5AA0] =	vst v3  }
0x57: {  	v56 =	vld [tilespmem:s21+$0x2DF0];
	[tilespmem:s21+$0x5AB0] =	vst v1;
	v57 =	vmov s22  }
0x58: {  	v8 =	vld [tilespmem:s21+$0x100];
	[tilespmem:s20+$0x5B20] =	vst v57  }
0x59: {  	v59 =	vld [tilespmem:s21+$0x2E00]  }
0x5a: {  	v60 =	vld [tilespmem:s21+$0x110];
	s28 =	spop (v2sf)  }
0x5b: {  	v0 =	vadd.f32 v0, v50;
	v61 =	vld [tilespmem:s21+$0x2E10];
	s20 =	smul.f32 s28, s28;
	s29 =	spop (v2sf)  }
0x5c: {  	v58 =	vadd.f32 v52, v51;
	s22 =	smul.f32 s29, s29  }
0x5d: {  	v2 =	vadd.f32 v54, v53;
	[tilespmem:s21+$0x5AC0] =	vst v0;
	s30 =	spop (v2sf)  }
0x5e: {  	v1 =	vadd.f32 v56, v55;
	[tilespmem:s21+$0x5AD0] =	vst v58;
	s31 =	smul.f32 s30, s30;
	s20 =	sadd.f32 s22, s20  }
0x5f: {  	[tilespmem:s21+$0x5AE0] =	vst v2;
	v0 =	vadd.f32 v59, v8  }
0x60: {  	[tilespmem:s21+$0x5AF0] =	vst v1;
	v62 =	vadd.f32 v61, v60;
	s20 =	sadd.f32 s20, s31  }
0x61: {  	s19 =	smul.u32 $0x12, s19;
	s18 =	sadd.s32 $0x1, s18;
	[tilespmem:s21+$0x5B00] =	vst v0  }
0x62: {  	p0 =	sne.s32 s18, $0x7D;
	[tilespmem:s21+$0x5B10] =	vst v62;
	v63 =	vmov s20  }
.Ltmp1:
0x63: {  	s19 =	sadd.s32 s7, s19;
	[tilespmem:s21+$0x5B20] =	vst v63;
	(pc) =	sbr.rel @p0 .LBB2_2-.Ltmp1, $4  }
0x64: {  	[hbm4b:s19+s2] =	stream.linear.scatter [tilespmem:s16], [sflag:$0x3], $0x2D00, $0x38;
	[tilespmem:$0x87A0] =	vst v63  }
0x65: {  	_ =	swait.ge [sflag:s10], $0x2D00  }
0x66: {  	[sflag:s10] =	ssyncset.done $0x0  }
0x67: {  	[sflag:s10] =	ssyncadd.s32 $0xFFFFD300  }
0x68: {  	s17 =	sadd.s32 $0x1, s17  }
0x69: {  	p0 =	sne.s32 s17, s9  }
.Ltmp2:
0x6a: {  	_ = 	snop;
	(pc) =	sbr.rel @p0 .LBB2_1-.Ltmp2, $1  }
0x6b: {  	_ =	sdelay $0x3  }
0x6c: {  	_ =	sfence.sel $0x180000  }
0x6d: {  	[bflag:$0x0] =	sbarrier.arrive $0xFFFF  }
0x6e: {  	p0 =	sne.s32 s3, $0x0;
	_ =	strace $0x90000047  }
0x6f: {  	s0 =	sadd.s32 @!p0 $0x100000, s0;
	[bflag:$0x2] =	sbarrier.arrive $0xFFFF  }
0x70: {  	[sflag:s0] =	ssyncadd.tile.s32 @!p0 $0x1;
	_ =	shalt  }
.Lfunc_end2:
_tile_overlayer_lowered:
.L_overlay_start_2:
0x71: {  	(tag) =	ssettag $0x2  }
0x72: {  	s0 =	rddreg [dreg:$0x0];
	s2 =	stileid.u32  }
0x73: {  	s1 =	rddreg [dreg:$0x1];
	p0 =	sne.s32 s2, $0x0  }
0x74: {  	s3 =	rddreg [dreg:$0x2];
	[bflag:$0x3] =	sbarrier.arrive $0xFFFF;
	s2 =	simm.s32 @!p0 $0x1C03  }
0x75: {  	[timem:s3], [sflag:s2] =	dma.local @!p0 [hbm:s0], s1  }
0x76: {  	s0 =	simm.s32 @!p0 $0x3  }
0x77: {  	_ =	swait.ge @!p0 [sflag:s0], s1  }
0x78: {  	s1 =	ssub.s32 @!p0 $0x0, s1;
	[sflag:s0] =	ssyncset.done @!p0 $0x0  }
0x79: {  	[sflag:s0] =	ssyncadd.s32 @!p0 s1  }
0x7a: {  	[bflag:$0x3] =	sbarrier.arrive $0xFFFF  }
0x7b: {  	_ =	shalt  }

</sc_bundles>
